<compile_context>
chip_gen: v7x
topology: tpu7x:2x2x1
jax: 0.10.2.dev20260603
libtpu: 0.0.44.dev20260713+nightly
codegen_flags: <defaults>
</compile_context>

<pallas_src>
import jax
import jax.numpy as jnp
from jax import lax
from jax.experimental import pallas as pl
from jax.experimental.pallas import tpu as pltpu
from jax.experimental.pallas import tpu_sc as plsc

MAXLEN = 200
EMBED_DIM = 64
PAD_DIM = 128
LANES = 16

NUM_WORKERS = 32
SEQ_PER_WORKER = 128
CHUNK_ROWS = 200
CHUNKS = SEQ_PER_WORKER
SUB = 100
NSUB = CHUNK_ROWS // SUB
GRP = 4
GROUPS = CHUNKS // GRP
IDX_GRP_ROWS = GRP * NSUB


def _emb_body(x_hbm, tok_hbm, pos_hbm, out_hbm, idx_v, rows_v, pos_v,
              gsems, osems, isems):
    wid = lax.axis_index("s") * 2 + lax.axis_index("c")
    base_row = wid * (SEQ_PER_WORKER * MAXLEN)
    idx_base = wid * (SEQ_PER_WORKER * MAXLEN // SUB)

    def idx_copy(g):
        gb = g & 1
        return pltpu.make_async_copy(
            x_hbm.at[pl.ds(pl.multiple_of(idx_base + g * IDX_GRP_ROWS, 8),
                           IDX_GRP_ROWS)],
            idx_v.at[pl.ds(gb * IDX_GRP_ROWS, IDX_GRP_ROWS)],
            isems.at[gb])

    def gather(c, b, issue):
        for i in range(NSUB):
            row = ((c // GRP) & 1) * IDX_GRP_ROWS + (c % GRP) * NSUB + i
            d = pltpu.make_async_copy(
                tok_hbm.at[idx_v.at[row]],
                rows_v.at[b, pl.ds(i * SUB, SUB)],
                gsems.at[b])
            d.start() if issue else d.wait()

    def out_write(c, b, issue):
        d = pltpu.make_async_copy(
            rows_v.at[b],
            out_hbm.at[pl.ds(pl.multiple_of(base_row + c * CHUNK_ROWS, 8),
                             CHUNK_ROWS)],
            osems.at[b])
        d.start() if issue else d.wait()

    pltpu.sync_copy(pos_hbm, pos_v)
    d0 = idx_copy(0)
    d0.start()
    d0.wait()
    gather(0, 0, True)
    idx_copy(1).start()

    def group_body(g, carry):
        for k in range(GRP):
            b = k & 1
            c = GRP * g + k

            gather(c, b, False)
            if k == GRP - 1:
                @pl.when(g + 2 < GROUPS)
                def _():
                    idx_copy(g + 2).start()

            @pl.when(c >= 1)
            def _():
                out_write(c - 1, 1 - b, False)

            @pl.when(c + 1 < CHUNKS)
            def _():
                if k == GRP - 1:
                    idx_copy(g + 1).wait()
                gather(c + 1, 1 - b, True)

            def row_body(r, carry2, _b=b):
                for j in range(EMBED_DIM // LANES):
                    pv = pos_v[r, pl.ds(j * LANES, LANES)]
                    plsc.addupdate(
                        rows_v.at[_b, r, pl.ds(j * LANES, LANES)], pv)
                return carry2

            lax.fori_loop(0, CHUNK_ROWS, row_body, None)
            out_write(c, b, True)
        return carry

    lax.fori_loop(0, GROUPS, group_body, None)
    out_write(CHUNKS - 1, 1, False)


def _transpose_pad_body(xt_ref, o_ref):
    o_ref[:, :EMBED_DIM] = xt_ref[...].T
    o_ref[:, EMBED_DIM:] = jnp.zeros_like(o_ref[:, EMBED_DIM:])


def _transpose_pad_table(tok_t):
    _, vocab = tok_t.shape
    blk = 7936
    return pl.pallas_call(
        _transpose_pad_body,
        grid=(pl.cdiv(vocab, blk),),
        in_specs=[pl.BlockSpec((EMBED_DIM, blk), lambda i: (0, i))],
        out_specs=pl.BlockSpec((blk, PAD_DIM), lambda i: (i, 0)),
        out_shape=jax.ShapeDtypeStruct((vocab, PAD_DIM), jnp.float32),
    )(tok_t)


def kernel(x, token_table, pos_table):
    batch, maxlen = x.shape
    _, embed_dim = token_table.shape
    n_rows = batch * maxlen
    x2 = x.reshape(n_rows // SUB, SUB).astype(jnp.int32)
    tok_pad = _transpose_pad_table(token_table.T)

    call = pl.kernel(
        _emb_body,
        out_type=jax.ShapeDtypeStruct((n_rows, PAD_DIM), jnp.float32),
        mesh=plsc.VectorSubcoreMesh(core_axis_name="c", subcore_axis_name="s"),
        scratch_types=[
            pltpu.VMEM((2 * IDX_GRP_ROWS, SUB), jnp.int32),
            pltpu.VMEM((2, CHUNK_ROWS, PAD_DIM), jnp.float32),
            pltpu.VMEM((MAXLEN, EMBED_DIM), jnp.float32),
            pltpu.SemaphoreType.DMA((2,)),
            pltpu.SemaphoreType.DMA((2,)),
            pltpu.SemaphoreType.DMA((2,)),
        ],
        compiler_params=pltpu.CompilerParams(use_tc_tiling_on_sc=True),
    )
    out_flat = call(x2, tok_pad, pos_table)
    return out_flat[:, :embed_dim].reshape(batch, maxlen, embed_dim)

# --- scband reference (transcript-rebuilt; emitter-appended) ---
"""Pipeline reference for scband-token-and-position-embedding-46119358824560 (READ-ONLY COPY).

The authoritative reference and input builder live on the scoring server;
editing this copy changes nothing except your own understanding.
"""

import jax, jax.numpy as jnp
import numpy as np

MAXLEN = 200
VOCAB_SIZE = 1000000
EMBED_DIM = 64
BATCH = 4096

def setup_inputs(seed: int = 0) -> dict:
    key = jax.random.key(seed)
    k1, k2, k3 = jax.random.split(key, 3)
    x = jax.random.randint(k1, (BATCH, MAXLEN), 0, VOCAB_SIZE, dtype=jnp.int64 if jax.config.jax_enable_x64 else jnp.int32)
    # Keras Embedding default initializer is 'uniform' (RandomUniform(-0.05, 0.05))
    token_table = jax.random.uniform(k2, (VOCAB_SIZE, EMBED_DIM), dtype=jnp.float32, minval=-0.05, maxval=0.05)
    pos_table = jax.random.uniform(k3, (MAXLEN, EMBED_DIM), dtype=jnp.float32, minval=-0.05, maxval=0.05)
    return {"x": x, "token_table": token_table, "pos_table": pos_table}

def reference(x, token_table, pos_table):
    # maxlen derived from the last dim of x, as in the original call()
    maxlen = x.shape[-1]
    positions = jnp.arange(0, maxlen)
    pos_embedded = jnp.take(pos_table, positions, axis=0)  # [maxlen, embed_dim]
    tok_embedded = jnp.take(token_table, x, axis=0)         # [B, maxlen, embed_dim]
    return tok_embedded + pos_embedded

if __name__ == "__main__":
    import jax
    _d = setup_inputs()
    print(jax.jit(kernel)(*tuple(_d.values())))

</pallas_src>

<mosaic_0001>
#map = affine_map<(d0, d1) -> (0, 0)>
module attributes {stable_mosaic.version = 14 : i64} {
  func.func @_emb_body(%arg0: i32, %arg1: i32, %arg2: memref<8192x100xi32, #tpu.memory_space<hbm>>, %arg3: memref<1000000x128xf32, #tpu.memory_space<hbm>>, %arg4: memref<200x64xf32, #tpu.memory_space<hbm>>, %arg5: memref<819200x128xf32, #tpu.memory_space<hbm>>, %arg6: memref<16x100xi32, #tpu.memory_space<vmem>>, %arg7: memref<2x200x128xf32, #tpu.memory_space<vmem>>, %arg8: memref<200x64xf32, #tpu.memory_space<vmem>>, %arg9: memref<2x!tpu.dma_semaphore, #tpu.memory_space<semaphore_mem>>, %arg10: memref<2x!tpu.dma_semaphore, #tpu.memory_space<semaphore_mem>>, %arg11: memref<2x!tpu.dma_semaphore, #tpu.memory_space<semaphore_mem>>) attributes {dimension_semantics = [#tpu.dimension_semantics<core_parallel>, #tpu.dimension_semantics<subcore_parallel>], iteration_bounds = array<i64: 2, 16>, scalar_prefetch = 0 : i64, scratch_operands = 6 : i64, tpu.core_type = #tpu.core_type<sc_vector_subcore>, window_params = [{transform_indices = #map}, {transform_indices = #map}, {transform_indices = #map}, {transform_indices = #map}]} {
    %mul3A = arith.constant 2 : i32
    %mul3A_0 = arith.muli %arg1, %mul3A : i32
    %add3A = arith.addi %mul3A_0, %arg0 : i32
    %mul3A_1 = arith.constant 25600 : i32
    %mul3A_2 = arith.muli %add3A, %mul3A_1 : i32
    %mul3A_3 = arith.constant 256 : i32
    %mul3A_4 = arith.muli %add3A, %mul3A_3 : i32
    "tpu.region"() ({
      %run_scoped3A = tpu.sem_alloc : memref<!tpu.dma_semaphore, #tpu.memory_space<semaphore_mem>>
      tpu.enqueue_dma source(%arg4 : memref<200x64xf32, #tpu.memory_space<hbm>>) target(%arg8 : memref<200x64xf32, #tpu.memory_space<vmem>>) target_semaphore(%run_scoped3A : memref<!tpu.dma_semaphore, #tpu.memory_space<semaphore_mem>>)
      tpu.wait_dma2 semaphore(%run_scoped3A : memref<!tpu.dma_semaphore, #tpu.memory_space<semaphore_mem>>) src(%arg4 : memref<200x64xf32, #tpu.memory_space<hbm>>) dst(%arg8 : memref<200x64xf32, #tpu.memory_space<vmem>>)
      tpu.yield
    }) : () -> ()
    %add3A_5 = arith.constant 0 : i32
    %add3A_6 = arith.addi %mul3A_4, %add3A_5 : i32
    %multiple_of3A = tpu.assume_multiple %add3A_6, 8 : i32
    %dma_start3A = arith.constant 0 : i32
    %dma_start3A_7 = arith.constant 0 : i32
    %dma_start3A_8 = arith.constant 0 : i32
    %dma_start3A_9 = tpu.memref_slice %arg6[%dma_start3A_7, %dma_start3A_8] : memref<16x100xi32, #tpu.memory_space<vmem>> -> memref<8x100xi32, #tpu.memory_space<vmem>>
    %dma_start3A_10 = arith.constant 0 : i32
    %dma_start3A_11 = tpu.memref_slice %arg2[%multiple_of3A, %dma_start3A_10] : memref<8192x100xi32, #tpu.memory_space<hbm>> -> memref<8x100xi32, #tpu.memory_space<hbm>>
    %dma_start3A_12 = tpu.memref_slice %arg11[%dma_start3A] : memref<2x!tpu.dma_semaphore, #tpu.memory_space<semaphore_mem>> -> memref<1x!tpu.dma_semaphore, #tpu.memory_space<semaphore_mem>>
    %dma_start3A_13 = tpu.memref_squeeze %dma_start3A_12 : memref<1x!tpu.dma_semaphore, #tpu.memory_space<semaphore_mem>> -> memref<!tpu.dma_semaphore, #tpu.memory_space<semaphore_mem>>
    %dma_start3A_14 = arith.constant 0 : i32
    %dma_start3A_15 = arith.constant 0 : i32
    %dma_start3A_16 = tpu.memref_slice %arg6[%dma_start3A_14, %dma_start3A_15] : memref<16x100xi32, #tpu.memory_space<vmem>> -> memref<8x100xi32, #tpu.memory_space<vmem>>
    %dma_start3A_17 = arith.constant 0 : i32
    %dma_start3A_18 = tpu.memref_slice %arg2[%multiple_of3A, %dma_start3A_17] : memref<8192x100xi32, #tpu.memory_space<hbm>> -> memref<8x100xi32, #tpu.memory_space<hbm>>
    tpu.enqueue_dma source(%dma_start3A_18 : memref<8x100xi32, #tpu.memory_space<hbm>>) target(%dma_start3A_16 : memref<8x100xi32, #tpu.memory_space<vmem>>) target_semaphore(%dma_start3A_13 : memref<!tpu.dma_semaphore, #tpu.memory_space<semaphore_mem>>)
    %dma_wait3A = arith.constant 0 : i32
    %dma_wait3A_19 = arith.constant 0 : i32
    %dma_wait3A_20 = arith.constant 0 : i32
    %dma_wait3A_21 = tpu.memref_slice %arg6[%dma_wait3A_19, %dma_wait3A_20] : memref<16x100xi32, #tpu.memory_space<vmem>> -> memref<8x100xi32, #tpu.memory_space<vmem>>
    %dma_wait3A_22 = arith.constant 0 : i32
    %dma_wait3A_23 = tpu.memref_slice %arg2[%multiple_of3A, %dma_wait3A_22] : memref<8192x100xi32, #tpu.memory_space<hbm>> -> memref<8x100xi32, #tpu.memory_space<hbm>>
    %dma_wait3A_24 = tpu.memref_slice %arg11[%dma_wait3A] : memref<2x!tpu.dma_semaphore, #tpu.memory_space<semaphore_mem>> -> memref<1x!tpu.dma_semaphore, #tpu.memory_space<semaphore_mem>>
    %dma_wait3A_25 = tpu.memref_squeeze %dma_wait3A_24 : memref<1x!tpu.dma_semaphore, #tpu.memory_space<semaphore_mem>> -> memref<!tpu.dma_semaphore, #tpu.memory_space<semaphore_mem>>
    %dma_wait3A_26 = arith.constant 0 : i32
    %dma_wait3A_27 = arith.constant 0 : i32
    %dma_wait3A_28 = tpu.memref_slice %arg6[%dma_wait3A_26, %dma_wait3A_27] : memref<16x100xi32, #tpu.memory_space<vmem>> -> memref<8x100xi32, #tpu.memory_space<vmem>>
    %dma_wait3A_29 = arith.constant 0 : i32
    %dma_wait3A_30 = tpu.memref_slice %arg2[%multiple_of3A, %dma_wait3A_29] : memref<8192x100xi32, #tpu.memory_space<hbm>> -> memref<8x100xi32, #tpu.memory_space<hbm>>
    tpu.wait_dma2 semaphore(%dma_wait3A_25 : memref<!tpu.dma_semaphore, #tpu.memory_space<semaphore_mem>>) src(%dma_wait3A_30 : memref<8x100xi32, #tpu.memory_space<hbm>>) dst(%dma_wait3A_28 : memref<8x100xi32, #tpu.memory_space<vmem>>)
    %dma_start3A_31 = arith.constant 0 : i32
    %dma_start3A_32 = arith.constant 0 : i32
    %dma_start3A_33 = arith.constant 0 : i32
    %dma_start3A_34 = arith.constant 0 : i32
    %dma_start3A_35 = arith.constant 0 : i32
    %dma_start3A_36 = tpu.memref_slice %arg7[%dma_start3A_32, %dma_start3A_34, %dma_start3A_35] : memref<2x200x128xf32, #tpu.memory_space<vmem>> -> memref<1x100x128xf32, #tpu.memory_space<vmem>>
    %dma_start3A_37 = tpu.memref_squeeze %dma_start3A_36 : memref<1x100x128xf32, #tpu.memory_space<vmem>> -> memref<100x128xf32, #tpu.memory_space<vmem>>
    %dma_start3A_38 = arith.constant 0 : i32
    %dma_start3A_39 = tpu.memref_slice %arg6[%dma_start3A_31, %dma_start3A_38] : memref<16x100xi32, #tpu.memory_space<vmem>> -> memref<1x100xi32, #tpu.memory_space<vmem>>
    %dma_start3A_40 = tpu.memref_squeeze %dma_start3A_39 : memref<1x100xi32, #tpu.memory_space<vmem>> -> memref<100xi32, #tpu.memory_space<vmem>>
    %dma_start3A_41 = arith.constant 0 : i32
    %dma_start3A_42 = arith.constant 0 : i32
    %dma_start3A_43 = tpu.memref_slice %arg3[%dma_start3A_41, %dma_start3A_42] : memref<1000000x128xf32, #tpu.memory_space<hbm>> -> memref<1000000x128xf32, #tpu.memory_space<hbm>>
    %dma_start3A_44 = tpu.memref_slice %arg9[%dma_start3A_33] : memref<2x!tpu.dma_semaphore, #tpu.memory_space<semaphore_mem>> -> memref<1x!tpu.dma_semaphore, #tpu.memory_space<semaphore_mem>>
    %dma_start3A_45 = tpu.memref_squeeze %dma_start3A_44 : memref<1x!tpu.dma_semaphore, #tpu.memory_space<semaphore_mem>> -> memref<!tpu.dma_semaphore, #tpu.memory_space<semaphore_mem>>
    tpu.enqueue_indirect_dma source(%dma_start3A_43 : memref<1000000x128xf32, #tpu.memory_space<hbm>>) target(%dma_start3A_37 : memref<100x128xf32, #tpu.memory_space<vmem>>) offsets(%dma_start3A_40 : memref<100xi32, #tpu.memory_space<vmem>>) semaphore(%dma_start3A_45 : memref<!tpu.dma_semaphore, #tpu.memory_space<semaphore_mem>>)
    %dma_start3A_46 = arith.constant 1 : i32
    %dma_start3A_47 = arith.constant 0 : i32
    %dma_start3A_48 = arith.constant 0 : i32
    %dma_start3A_49 = arith.constant 100 : i32
    %dma_start3A_50 = arith.constant 0 : i32
    %dma_start3A_51 = tpu.memref_slice %arg7[%dma_start3A_47, %dma_start3A_49, %dma_start3A_50] : memref<2x200x128xf32, #tpu.memory_space<vmem>> -> memref<1x100x128xf32, #tpu.memory_space<vmem>>
    %dma_start3A_52 = tpu.memref_squeeze %dma_start3A_51 : memref<1x100x128xf32, #tpu.memory_space<vmem>> -> memref<100x128xf32, #tpu.memory_space<vmem>>
    %dma_start3A_53 = arith.constant 0 : i32
    %dma_start3A_54 = tpu.memref_slice %arg6[%dma_start3A_46, %dma_start3A_53] : memref<16x100xi32, #tpu.memory_space<vmem>> -> memref<1x100xi32, #tpu.memory_space<vmem>>
    %dma_start3A_55 = tpu.memref_squeeze %dma_start3A_54 : memref<1x100xi32, #tpu.memory_space<vmem>> -> memref<100xi32, #tpu.memory_space<vmem>>
    %dma_start3A_56 = arith.constant 0 : i32
    %dma_start3A_57 = arith.constant 0 : i32
    %dma_start3A_58 = tpu.memref_slice %arg3[%dma_start3A_56, %dma_start3A_57] : memref<1000000x128xf32, #tpu.memory_space<hbm>> -> memref<1000000x128xf32, #tpu.memory_space<hbm>>
    %dma_start3A_59 = tpu.memref_slice %arg9[%dma_start3A_48] : memref<2x!tpu.dma_semaphore, #tpu.memory_space<semaphore_mem>> -> memref<1x!tpu.dma_semaphore, #tpu.memory_space<semaphore_mem>>
    %dma_start3A_60 = tpu.memref_squeeze %dma_start3A_59 : memref<1x!tpu.dma_semaphore, #tpu.memory_space<semaphore_mem>> -> memref<!tpu.dma_semaphore, #tpu.memory_space<semaphore_mem>>
    tpu.enqueue_indirect_dma source(%dma_start3A_58 : memref<1000000x128xf32, #tpu.memory_space<hbm>>) target(%dma_start3A_52 : memref<100x128xf32, #tpu.memory_space<vmem>>) offsets(%dma_start3A_55 : memref<100xi32, #tpu.memory_space<vmem>>) semaphore(%dma_start3A_60 : memref<!tpu.dma_semaphore, #tpu.memory_space<semaphore_mem>>)
    %add3A_61 = arith.constant 8 : i32
    %add3A_62 = arith.addi %mul3A_4, %add3A_61 : i32
    %multiple_of3A_63 = tpu.assume_multiple %add3A_62, 8 : i32
    %dma_start3A_64 = arith.constant 1 : i32
    %dma_start3A_65 = arith.constant 8 : i32
    %dma_start3A_66 = arith.constant 0 : i32
    %dma_start3A_67 = tpu.memref_slice %arg6[%dma_start3A_65, %dma_start3A_66] : memref<16x100xi32, #tpu.memory_space<vmem>> -> memref<8x100xi32, #tpu.memory_space<vmem>>
    %dma_start3A_68 = arith.constant 0 : i32
    %dma_start3A_69 = tpu.memref_slice %arg2[%multiple_of3A_63, %dma_start3A_68] : memref<8192x100xi32, #tpu.memory_space<hbm>> -> memref<8x100xi32, #tpu.memory_space<hbm>>
    %dma_start3A_70 = tpu.memref_slice %arg11[%dma_start3A_64] : memref<2x!tpu.dma_semaphore, #tpu.memory_space<semaphore_mem>> -> memref<1x!tpu.dma_semaphore, #tpu.memory_space<semaphore_mem>>
    %dma_start3A_71 = tpu.memref_squeeze %dma_start3A_70 : memref<1x!tpu.dma_semaphore, #tpu.memory_space<semaphore_mem>> -> memref<!tpu.dma_semaphore, #tpu.memory_space<semaphore_mem>>
    %dma_start3A_72 = arith.constant 8 : i32
    %dma_start3A_73 = arith.constant 0 : i32
    %dma_start3A_74 = tpu.memref_slice %arg6[%dma_start3A_72, %dma_start3A_73] : memref<16x100xi32, #tpu.memory_space<vmem>> -> memref<8x100xi32, #tpu.memory_space<vmem>>
    %dma_start3A_75 = arith.constant 0 : i32
    %dma_start3A_76 = tpu.memref_slice %arg2[%multiple_of3A_63, %dma_start3A_75] : memref<8192x100xi32, #tpu.memory_space<hbm>> -> memref<8x100xi32, #tpu.memory_space<hbm>>
    tpu.enqueue_dma source(%dma_start3A_76 : memref<8x100xi32, #tpu.memory_space<hbm>>) target(%dma_start3A_74 : memref<8x100xi32, #tpu.memory_space<vmem>>) target_semaphore(%dma_start3A_71 : memref<!tpu.dma_semaphore, #tpu.memory_space<semaphore_mem>>)
    %scan3A = arith.constant 0 : i32
    %scan3A_77 = arith.constant 32 : i32
    %scan3A_78 = arith.addi %scan3A, %scan3A_77 : i32
    %scan3A_79 = arith.constant 1 : i32
    scf.for %scan3A_100 = %scan3A to %scan3A_78 step %scan3A_79  : i32 {
      %mul3A_101 = arith.constant 4 : i32
      %mul3A_102 = arith.muli %mul3A_101, %scan3A_100 : i32
      %add3A_103 = arith.constant 0 : i32
      %add3A_104 = arith.addi %mul3A_102, %add3A_103 : i32
      %jit3A = arith.constant 4 : i32
      %div3A = arith.divsi %add3A_104, %jit3A : i32
      %sign3A = arith.constant 0 : i32
      %sign3A_105 = arith.cmpi sgt, %add3A_104, %sign3A : i32
      %sign3A_106 = arith.extui %sign3A_105 : i1 to i32
      %sign3A_107 = arith.constant 0 : i32
      %sign3A_108 = arith.cmpi slt, %add3A_104, %sign3A_107 : i32
      %sign3A_109 = arith.extui %sign3A_108 : i1 to i32
      %sign3A_110 = arith.subi %sign3A_106, %sign3A_109 : i32
      %sign3A_111 = arith.constant 0 : i32
      %sign3A_112 = arith.cmpi sgt, %jit3A, %sign3A_111 : i32
      %sign3A_113 = arith.extui %sign3A_112 : i1 to i32
      %sign3A_114 = arith.constant 0 : i32
      %sign3A_115 = arith.cmpi slt, %jit3A, %sign3A_114 : i32
      %sign3A_116 = arith.extui %sign3A_115 : i1 to i32
      %sign3A_117 = arith.subi %sign3A_113, %sign3A_116 : i32
      %ne3A = arith.cmpi ne, %sign3A_110, %sign3A_117 : i32
      %rem3A = arith.remsi %add3A_104, %jit3A : i32
      %ne3A_118 = arith.constant 0 : i32
      %ne3A_119 = arith.cmpi ne, %rem3A, %ne3A_118 : i32
      %and3A = arith.andi %ne3A, %ne3A_119 : i1
      %sub3A = arith.constant 1 : i32
      %sub3A_120 = arith.subi %div3A, %sub3A : i32
      %select_n3A = arith.select %and3A, %sub3A_120, %div3A : i32
      %and3A_121 = arith.constant 1 : i32
      %and3A_122 = arith.andi %select_n3A, %and3A_121 : i32
      %mul3A_123 = arith.constant 8 : i32
      %mul3A_124 = arith.muli %and3A_122, %mul3A_123 : i32
      %jit3A_125 = arith.constant 4 : i32
      %eq3A = arith.constant 0 : i32
      %eq3A_126 = arith.cmpi eq, %jit3A_125, %eq3A : i32
      %jit3A_127 = arith.constant 1 : i32
      %select_n3A_128 = arith.select %eq3A_126, %jit3A_127, %jit3A_125 : i32
      %rem3A_129 = arith.remsi %add3A_104, %select_n3A_128 : i32
      %ne3A_130 = arith.constant 0 : i32
      %ne3A_131 = arith.cmpi ne, %rem3A_129, %ne3A_130 : i32
      %lt3A = arith.constant 0 : i32
      %lt3A_132 = arith.cmpi slt, %rem3A_129, %lt3A : i32
      %lt3A_133 = arith.constant 0 : i32
      %lt3A_134 = arith.cmpi slt, %select_n3A_128, %lt3A_133 : i32
      %ne3A_135 = arith.xori %lt3A_132, %lt3A_134 : i1
      %and3A_136 = arith.andi %ne3A_135, %ne3A_131 : i1
      %add3A_137 = arith.addi %rem3A_129, %select_n3A_128 : i32
      %select_n3A_138 = arith.select %and3A_136, %add3A_137, %rem3A_129 : i32
      %mul3A_139 = arith.constant 2 : i32
      %mul3A_140 = arith.muli %select_n3A_138, %mul3A_139 : i32
      %add3A_141 = arith.addi %mul3A_124, %mul3A_140 : i32
      %add3A_142 = arith.constant 0 : i32
      %add3A_143 = arith.addi %add3A_141, %add3A_142 : i32
      %dma_wait3A_144 = arith.constant 0 : i32
      %dma_wait3A_145 = arith.constant 0 : i32
      %dma_wait3A_146 = arith.constant 0 : i32
      %dma_wait3A_147 = arith.constant 0 : i32
      %dma_wait3A_148 = tpu.memref_slice %arg7[%dma_wait3A_144, %dma_wait3A_146, %dma_wait3A_147] : memref<2x200x128xf32, #tpu.memory_space<vmem>> -> memref<1x100x128xf32, #tpu.memory_space<vmem>>
      %dma_wait3A_149 = tpu.memref_squeeze %dma_wait3A_148 : memref<1x100x128xf32, #tpu.memory_space<vmem>> -> memref<100x128xf32, #tpu.memory_space<vmem>>
      %dma_wait3A_150 = arith.constant 0 : i32
      %dma_wait3A_151 = tpu.memref_slice %arg6[%add3A_143, %dma_wait3A_150] : memref<16x100xi32, #tpu.memory_space<vmem>> -> memref<1x100xi32, #tpu.memory_space<vmem>>
      %dma_wait3A_152 = tpu.memref_squeeze %dma_wait3A_151 : memref<1x100xi32, #tpu.memory_space<vmem>> -> memref<100xi32, #tpu.memory_space<vmem>>
      %dma_wait3A_153 = arith.constant 0 : i32
      %dma_wait3A_154 = arith.constant 0 : i32
      %dma_wait3A_155 = tpu.memref_slice %arg3[%dma_wait3A_153, %dma_wait3A_154] : memref<1000000x128xf32, #tpu.memory_space<hbm>> -> memref<1000000x128xf32, #tpu.memory_space<hbm>>
      %dma_wait3A_156 = tpu.memref_slice %arg9[%dma_wait3A_145] : memref<2x!tpu.dma_semaphore, #tpu.memory_space<semaphore_mem>> -> memref<1x!tpu.dma_semaphore, #tpu.memory_space<semaphore_mem>>
      %dma_wait3A_157 = tpu.memref_squeeze %dma_wait3A_156 : memref<1x!tpu.dma_semaphore, #tpu.memory_space<semaphore_mem>> -> memref<!tpu.dma_semaphore, #tpu.memory_space<semaphore_mem>>
      tpu.wait_indirect_dma semaphore(%dma_wait3A_157 : memref<!tpu.dma_semaphore, #tpu.memory_space<semaphore_mem>>) src(%dma_wait3A_155 : memref<1000000x128xf32, #tpu.memory_space<hbm>>) dst(%dma_wait3A_149 : memref<100x128xf32, #tpu.memory_space<vmem>>)
      %jit3A_158 = arith.constant 4 : i32
      %div3A_159 = arith.divsi %add3A_104, %jit3A_158 : i32
      %sign3A_160 = arith.constant 0 : i32
      %sign3A_161 = arith.cmpi sgt, %add3A_104, %sign3A_160 : i32
      %sign3A_162 = arith.extui %sign3A_161 : i1 to i32
      %sign3A_163 = arith.constant 0 : i32
      %sign3A_164 = arith.cmpi slt, %add3A_104, %sign3A_163 : i32
      %sign3A_165 = arith.extui %sign3A_164 : i1 to i32
      %sign3A_166 = arith.subi %sign3A_162, %sign3A_165 : i32
      %sign3A_167 = arith.constant 0 : i32
      %sign3A_168 = arith.cmpi sgt, %jit3A_158, %sign3A_167 : i32
      %sign3A_169 = arith.extui %sign3A_168 : i1 to i32
      %sign3A_170 = arith.constant 0 : i32
      %sign3A_171 = arith.cmpi slt, %jit3A_158, %sign3A_170 : i32
      %sign3A_172 = arith.extui %sign3A_171 : i1 to i32
      %sign3A_173 = arith.subi %sign3A_169, %sign3A_172 : i32
      %ne3A_174 = arith.cmpi ne, %sign3A_166, %sign3A_173 : i32
      %rem3A_175 = arith.remsi %add3A_104, %jit3A_158 : i32
      %ne3A_176 = arith.constant 0 : i32
      %ne3A_177 = arith.cmpi ne, %rem3A_175, %ne3A_176 : i32
      %and3A_178 = arith.andi %ne3A_174, %ne3A_177 : i1
      %sub3A_179 = arith.constant 1 : i32
      %sub3A_180 = arith.subi %div3A_159, %sub3A_179 : i32
      %select_n3A_181 = arith.select %and3A_178, %sub3A_180, %div3A_159 : i32
      %and3A_182 = arith.constant 1 : i32
      %and3A_183 = arith.andi %select_n3A_181, %and3A_182 : i32
      %mul3A_184 = arith.constant 8 : i32
      %mul3A_185 = arith.muli %and3A_183, %mul3A_184 : i32
      %jit3A_186 = arith.constant 4 : i32
      %eq3A_187 = arith.constant 0 : i32
      %eq3A_188 = arith.cmpi eq, %jit3A_186, %eq3A_187 : i32
      %jit3A_189 = arith.constant 1 : i32
      %select_n3A_190 = arith.select %eq3A_188, %jit3A_189, %jit3A_186 : i32
      %rem3A_191 = arith.remsi %add3A_104, %select_n3A_190 : i32
      %ne3A_192 = arith.constant 0 : i32
      %ne3A_193 = arith.cmpi ne, %rem3A_191, %ne3A_192 : i32
      %lt3A_194 = arith.constant 0 : i32
      %lt3A_195 = arith.cmpi slt, %rem3A_191, %lt3A_194 : i32
      %lt3A_196 = arith.constant 0 : i32
      %lt3A_197 = arith.cmpi slt, %select_n3A_190, %lt3A_196 : i32
      %ne3A_198 = arith.xori %lt3A_195, %lt3A_197 : i1
      %and3A_199 = arith.andi %ne3A_198, %ne3A_193 : i1
      %add3A_200 = arith.addi %rem3A_191, %select_n3A_190 : i32
      %select_n3A_201 = arith.select %and3A_199, %add3A_200, %rem3A_191 : i32
      %mul3A_202 = arith.constant 2 : i32
      %mul3A_203 = arith.muli %select_n3A_201, %mul3A_202 : i32
      %add3A_204 = arith.addi %mul3A_185, %mul3A_203 : i32
      %add3A_205 = arith.constant 1 : i32
      %add3A_206 = arith.addi %add3A_204, %add3A_205 : i32
      %dma_wait3A_207 = arith.constant 0 : i32
      %dma_wait3A_208 = arith.constant 0 : i32
      %dma_wait3A_209 = arith.constant 100 : i32
      %dma_wait3A_210 = arith.constant 0 : i32
      %dma_wait3A_211 = tpu.memref_slice %arg7[%dma_wait3A_207, %dma_wait3A_209, %dma_wait3A_210] : memref<2x200x128xf32, #tpu.memory_space<vmem>> -> memref<1x100x128xf32, #tpu.memory_space<vmem>>
      %dma_wait3A_212 = tpu.memref_squeeze %dma_wait3A_211 : memref<1x100x128xf32, #tpu.memory_space<vmem>> -> memref<100x128xf32, #tpu.memory_space<vmem>>
      %dma_wait3A_213 = arith.constant 0 : i32
      %dma_wait3A_214 = tpu.memref_slice %arg6[%add3A_206, %dma_wait3A_213] : memref<16x100xi32, #tpu.memory_space<vmem>> -> memref<1x100xi32, #tpu.memory_space<vmem>>
      %dma_wait3A_215 = tpu.memref_squeeze %dma_wait3A_214 : memref<1x100xi32, #tpu.memory_space<vmem>> -> memref<100xi32, #tpu.memory_space<vmem>>
      %dma_wait3A_216 = arith.constant 0 : i32
      %dma_wait3A_217 = arith.constant 0 : i32
      %dma_wait3A_218 = tpu.memref_slice %arg3[%dma_wait3A_216, %dma_wait3A_217] : memref<1000000x128xf32, #tpu.memory_space<hbm>> -> memref<1000000x128xf32, #tpu.memory_space<hbm>>
      %dma_wait3A_219 = tpu.memref_slice %arg9[%dma_wait3A_208] : memref<2x!tpu.dma_semaphore, #tpu.memory_space<semaphore_mem>> -> memref<1x!tpu.dma_semaphore, #tpu.memory_space<semaphore_mem>>
      %dma_wait3A_220 = tpu.memref_squeeze %dma_wait3A_219 : memref<1x!tpu.dma_semaphore, #tpu.memory_space<semaphore_mem>> -> memref<!tpu.dma_semaphore, #tpu.memory_space<semaphore_mem>>
      tpu.wait_indirect_dma semaphore(%dma_wait3A_220 : memref<!tpu.dma_semaphore, #tpu.memory_space<semaphore_mem>>) src(%dma_wait3A_218 : memref<1000000x128xf32, #tpu.memory_space<hbm>>) dst(%dma_wait3A_212 : memref<100x128xf32, #tpu.memory_space<vmem>>)
      %ge3A = arith.constant 1 : i32
      %ge3A_221 = arith.cmpi sge, %add3A_104, %ge3A : i32
      %convert_element_type3A = arith.extui %ge3A_221 : i1 to i32
      %cond3A = arith.constant 0 : i32
      %cond3A_222 = arith.cmpi ne, %convert_element_type3A, %cond3A : i32
      scf.if %cond3A_222 {
        %sub3A_763 = arith.constant 1 : i32
        %sub3A_764 = arith.subi %add3A_104, %sub3A_763 : i32
        %mul3A_765 = arith.constant 200 : i32
        %mul3A_766 = arith.muli %sub3A_764, %mul3A_765 : i32
        %add3A_767 = arith.addi %mul3A_2, %mul3A_766 : i32
        %multiple_of3A_768 = tpu.assume_multiple %add3A_767, 8 : i32
        %dma_wait3A_769 = arith.constant 1 : i32
        %dma_wait3A_770 = arith.constant 1 : i32
        %dma_wait3A_771 = arith.constant 0 : i32
        %dma_wait3A_772 = arith.constant 0 : i32
        %dma_wait3A_773 = tpu.memref_slice %arg7[%dma_wait3A_769, %dma_wait3A_771, %dma_wait3A_772] : memref<2x200x128xf32, #tpu.memory_space<vmem>> -> memref<1x200x128xf32, #tpu.memory_space<vmem>>
        %dma_wait3A_774 = tpu.memref_squeeze %dma_wait3A_773 : memref<1x200x128xf32, #tpu.memory_space<vmem>> -> memref<200x128xf32, #tpu.memory_space<vmem>>
        %dma_wait3A_775 = arith.constant 0 : i32
        %dma_wait3A_776 = tpu.memref_slice %arg5[%multiple_of3A_768, %dma_wait3A_775] : memref<819200x128xf32, #tpu.memory_space<hbm>> -> memref<200x128xf32, #tpu.memory_space<hbm>>
        %dma_wait3A_777 = tpu.memref_slice %arg10[%dma_wait3A_770] : memref<2x!tpu.dma_semaphore, #tpu.memory_space<semaphore_mem>> -> memref<1x!tpu.dma_semaphore, #tpu.memory_space<semaphore_mem>>
        %dma_wait3A_778 = tpu.memref_squeeze %dma_wait3A_777 : memref<1x!tpu.dma_semaphore, #tpu.memory_space<semaphore_mem>> -> memref<!tpu.dma_semaphore, #tpu.memory_space<semaphore_mem>>
        %dma_wait3A_779 = arith.constant 0 : i32
        %dma_wait3A_780 = tpu.memref_slice %arg5[%multiple_of3A_768, %dma_wait3A_779] : memref<819200x128xf32, #tpu.memory_space<hbm>> -> memref<200x128xf32, #tpu.memory_space<hbm>>
        %dma_wait3A_781 = arith.constant 0 : i32
        %dma_wait3A_782 = arith.constant 0 : i32
        %dma_wait3A_783 = tpu.memref_slice %arg7[%dma_wait3A_769, %dma_wait3A_781, %dma_wait3A_782] : memref<2x200x128xf32, #tpu.memory_space<vmem>> -> memref<1x200x128xf32, #tpu.memory_space<vmem>>
        %dma_wait3A_784 = tpu.memref_squeeze %dma_wait3A_783 : memref<1x200x128xf32, #tpu.memory_space<vmem>> -> memref<200x128xf32, #tpu.memory_space<vmem>>
        tpu.wait_dma2 semaphore(%dma_wait3A_778 : memref<!tpu.dma_semaphore, #tpu.memory_space<semaphore_mem>>) src(%dma_wait3A_784 : memref<200x128xf32, #tpu.memory_space<vmem>>) dst(%dma_wait3A_780 : memref<200x128xf32, #tpu.memory_space<hbm>>)
      } else {
      }
      %add3A_223 = arith.constant 1 : i32
      %add3A_224 = arith.addi %add3A_104, %add3A_223 : i32
      %lt3A_225 = arith.constant 128 : i32
      %lt3A_226 = arith.cmpi slt, %add3A_224, %lt3A_225 : i32
      %convert_element_type3A_227 = arith.extui %lt3A_226 : i1 to i32
      %cond3A_228 = arith.constant 0 : i32
      %cond3A_229 = arith.cmpi ne, %convert_element_type3A_227, %cond3A_228 : i32
      scf.if %cond3A_229 {
        %add3A_763 = arith.constant 1 : i32
        %add3A_764 = arith.addi %add3A_104, %add3A_763 : i32
        %jit3A_765 = arith.constant 4 : i32
        %div3A_766 = arith.divsi %add3A_764, %jit3A_765 : i32
        %sign3A_767 = arith.constant 0 : i32
        %sign3A_768 = arith.cmpi sgt, %add3A_764, %sign3A_767 : i32
        %sign3A_769 = arith.extui %sign3A_768 : i1 to i32
        %sign3A_770 = arith.constant 0 : i32
        %sign3A_771 = arith.cmpi slt, %add3A_764, %sign3A_770 : i32
        %sign3A_772 = arith.extui %sign3A_771 : i1 to i32
        %sign3A_773 = arith.subi %sign3A_769, %sign3A_772 : i32
        %sign3A_774 = arith.constant 0 : i32
        %sign3A_775 = arith.cmpi sgt, %jit3A_765, %sign3A_774 : i32
        %sign3A_776 = arith.extui %sign3A_775 : i1 to i32
        %sign3A_777 = arith.constant 0 : i32
        %sign3A_778 = arith.cmpi slt, %jit3A_765, %sign3A_777 : i32
        %sign3A_779 = arith.extui %sign3A_778 : i1 to i32
        %sign3A_780 = arith.subi %sign3A_776, %sign3A_779 : i32
        %ne3A_781 = arith.cmpi ne, %sign3A_773, %sign3A_780 : i32
        %rem3A_782 = arith.remsi %add3A_764, %jit3A_765 : i32
        %ne3A_783 = arith.constant 0 : i32
        %ne3A_784 = arith.cmpi ne, %rem3A_782, %ne3A_783 : i32
        %and3A_785 = arith.andi %ne3A_781, %ne3A_784 : i1
        %sub3A_786 = arith.constant 1 : i32
        %sub3A_787 = arith.subi %div3A_766, %sub3A_786 : i32
        %select_n3A_788 = arith.select %and3A_785, %sub3A_787, %div3A_766 : i32
        %and3A_789 = arith.constant 1 : i32
        %and3A_790 = arith.andi %select_n3A_788, %and3A_789 : i32
        %mul3A_791 = arith.constant 8 : i32
        %mul3A_792 = arith.muli %and3A_790, %mul3A_791 : i32
        %jit3A_793 = arith.constant 4 : i32
        %eq3A_794 = arith.constant 0 : i32
        %eq3A_795 = arith.cmpi eq, %jit3A_793, %eq3A_794 : i32
        %jit3A_796 = arith.constant 1 : i32
        %select_n3A_797 = arith.select %eq3A_795, %jit3A_796, %jit3A_793 : i32
        %rem3A_798 = arith.remsi %add3A_764, %select_n3A_797 : i32
        %ne3A_799 = arith.constant 0 : i32
        %ne3A_800 = arith.cmpi ne, %rem3A_798, %ne3A_799 : i32
        %lt3A_801 = arith.constant 0 : i32
        %lt3A_802 = arith.cmpi slt, %rem3A_798, %lt3A_801 : i32
        %lt3A_803 = arith.constant 0 : i32
        %lt3A_804 = arith.cmpi slt, %select_n3A_797, %lt3A_803 : i32
        %ne3A_805 = arith.xori %lt3A_802, %lt3A_804 : i1
        %and3A_806 = arith.andi %ne3A_805, %ne3A_800 : i1
        %add3A_807 = arith.addi %rem3A_798, %select_n3A_797 : i32
        %select_n3A_808 = arith.select %and3A_806, %add3A_807, %rem3A_798 : i32
        %mul3A_809 = arith.constant 2 : i32
        %mul3A_810 = arith.muli %select_n3A_808, %mul3A_809 : i32
        %add3A_811 = arith.addi %mul3A_792, %mul3A_810 : i32
        %add3A_812 = arith.constant 0 : i32
        %add3A_813 = arith.addi %add3A_811, %add3A_812 : i32
        %dma_start3A_814 = arith.constant 1 : i32
        %dma_start3A_815 = arith.constant 1 : i32
        %dma_start3A_816 = arith.constant 0 : i32
        %dma_start3A_817 = arith.constant 0 : i32
        %dma_start3A_818 = tpu.memref_slice %arg7[%dma_start3A_814, %dma_start3A_816, %dma_start3A_817] : memref<2x200x128xf32, #tpu.memory_space<vmem>> -> memref<1x100x128xf32, #tpu.memory_space<vmem>>
        %dma_start3A_819 = tpu.memref_squeeze %dma_start3A_818 : memref<1x100x128xf32, #tpu.memory_space<vmem>> -> memref<100x128xf32, #tpu.memory_space<vmem>>
        %dma_start3A_820 = arith.constant 0 : i32
        %dma_start3A_821 = tpu.memref_slice %arg6[%add3A_813, %dma_start3A_820] : memref<16x100xi32, #tpu.memory_space<vmem>> -> memref<1x100xi32, #tpu.memory_space<vmem>>
        %dma_start3A_822 = tpu.memref_squeeze %dma_start3A_821 : memref<1x100xi32, #tpu.memory_space<vmem>> -> memref<100xi32, #tpu.memory_space<vmem>>
        %dma_start3A_823 = arith.constant 0 : i32
        %dma_start3A_824 = arith.constant 0 : i32
        %dma_start3A_825 = tpu.memref_slice %arg3[%dma_start3A_823, %dma_start3A_824] : memref<1000000x128xf32, #tpu.memory_space<hbm>> -> memref<1000000x128xf32, #tpu.memory_space<hbm>>
        %dma_start3A_826 = tpu.memref_slice %arg9[%dma_start3A_815] : memref<2x!tpu.dma_semaphore, #tpu.memory_space<semaphore_mem>> -> memref<1x!tpu.dma_semaphore, #tpu.memory_space<semaphore_mem>>
        %dma_start3A_827 = tpu.memref_squeeze %dma_start3A_826 : memref<1x!tpu.dma_semaphore, #tpu.memory_space<semaphore_mem>> -> memref<!tpu.dma_semaphore, #tpu.memory_space<semaphore_mem>>
        tpu.enqueue_indirect_dma source(%dma_start3A_825 : memref<1000000x128xf32, #tpu.memory_space<hbm>>) target(%dma_start3A_819 : memref<100x128xf32, #tpu.memory_space<vmem>>) offsets(%dma_start3A_822 : memref<100xi32, #tpu.memory_space<vmem>>) semaphore(%dma_start3A_827 : memref<!tpu.dma_semaphore, #tpu.memory_space<semaphore_mem>>)
        %jit3A_828 = arith.constant 4 : i32
        %div3A_829 = arith.divsi %add3A_764, %jit3A_828 : i32
        %sign3A_830 = arith.constant 0 : i32
        %sign3A_831 = arith.cmpi sgt, %add3A_764, %sign3A_830 : i32
        %sign3A_832 = arith.extui %sign3A_831 : i1 to i32
        %sign3A_833 = arith.constant 0 : i32
        %sign3A_834 = arith.cmpi slt, %add3A_764, %sign3A_833 : i32
        %sign3A_835 = arith.extui %sign3A_834 : i1 to i32
        %sign3A_836 = arith.subi %sign3A_832, %sign3A_835 : i32
        %sign3A_837 = arith.constant 0 : i32
        %sign3A_838 = arith.cmpi sgt, %jit3A_828, %sign3A_837 : i32
        %sign3A_839 = arith.extui %sign3A_838 : i1 to i32
        %sign3A_840 = arith.constant 0 : i32
        %sign3A_841 = arith.cmpi slt, %jit3A_828, %sign3A_840 : i32
        %sign3A_842 = arith.extui %sign3A_841 : i1 to i32
        %sign3A_843 = arith.subi %sign3A_839, %sign3A_842 : i32
        %ne3A_844 = arith.cmpi ne, %sign3A_836, %sign3A_843 : i32
        %rem3A_845 = arith.remsi %add3A_764, %jit3A_828 : i32
        %ne3A_846 = arith.constant 0 : i32
        %ne3A_847 = arith.cmpi ne, %rem3A_845, %ne3A_846 : i32
        %and3A_848 = arith.andi %ne3A_844, %ne3A_847 : i1
        %sub3A_849 = arith.constant 1 : i32
        %sub3A_850 = arith.subi %div3A_829, %sub3A_849 : i32
        %select_n3A_851 = arith.select %and3A_848, %sub3A_850, %div3A_829 : i32
        %and3A_852 = arith.constant 1 : i32
        %and3A_853 = arith.andi %select_n3A_851, %and3A_852 : i32
        %mul3A_854 = arith.constant 8 : i32
        %mul3A_855 = arith.muli %and3A_853, %mul3A_854 : i32
        %jit3A_856 = arith.constant 4 : i32
        %eq3A_857 = arith.constant 0 : i32
        %eq3A_858 = arith.cmpi eq, %jit3A_856, %eq3A_857 : i32
        %jit3A_859 = arith.constant 1 : i32
        %select_n3A_860 = arith.select %eq3A_858, %jit3A_859, %jit3A_856 : i32
        %rem3A_861 = arith.remsi %add3A_764, %select_n3A_860 : i32
        %ne3A_862 = arith.constant 0 : i32
        %ne3A_863 = arith.cmpi ne, %rem3A_861, %ne3A_862 : i32
        %lt3A_864 = arith.constant 0 : i32
        %lt3A_865 = arith.cmpi slt, %rem3A_861, %lt3A_864 : i32
        %lt3A_866 = arith.constant 0 : i32
        %lt3A_867 = arith.cmpi slt, %select_n3A_860, %lt3A_866 : i32
        %ne3A_868 = arith.xori %lt3A_865, %lt3A_867 : i1
        %and3A_869 = arith.andi %ne3A_868, %ne3A_863 : i1
        %add3A_870 = arith.addi %rem3A_861, %select_n3A_860 : i32
        %select_n3A_871 = arith.select %and3A_869, %add3A_870, %rem3A_861 : i32
        %mul3A_872 = arith.constant 2 : i32
        %mul3A_873 = arith.muli %select_n3A_871, %mul3A_872 : i32
        %add3A_874 = arith.addi %mul3A_855, %mul3A_873 : i32
        %add3A_875 = arith.constant 1 : i32
        %add3A_876 = arith.addi %add3A_874, %add3A_875 : i32
        %dma_start3A_877 = arith.constant 1 : i32
        %dma_start3A_878 = arith.constant 1 : i32
        %dma_start3A_879 = arith.constant 100 : i32
        %dma_start3A_880 = arith.constant 0 : i32
        %dma_start3A_881 = tpu.memref_slice %arg7[%dma_start3A_877, %dma_start3A_879, %dma_start3A_880] : memref<2x200x128xf32, #tpu.memory_space<vmem>> -> memref<1x100x128xf32, #tpu.memory_space<vmem>>
        %dma_start3A_882 = tpu.memref_squeeze %dma_start3A_881 : memref<1x100x128xf32, #tpu.memory_space<vmem>> -> memref<100x128xf32, #tpu.memory_space<vmem>>
        %dma_start3A_883 = arith.constant 0 : i32
        %dma_start3A_884 = tpu.memref_slice %arg6[%add3A_876, %dma_start3A_883] : memref<16x100xi32, #tpu.memory_space<vmem>> -> memref<1x100xi32, #tpu.memory_space<vmem>>
        %dma_start3A_885 = tpu.memref_squeeze %dma_start3A_884 : memref<1x100xi32, #tpu.memory_space<vmem>> -> memref<100xi32, #tpu.memory_space<vmem>>
        %dma_start3A_886 = arith.constant 0 : i32
        %dma_start3A_887 = arith.constant 0 : i32
        %dma_start3A_888 = tpu.memref_slice %arg3[%dma_start3A_886, %dma_start3A_887] : memref<1000000x128xf32, #tpu.memory_space<hbm>> -> memref<1000000x128xf32, #tpu.memory_space<hbm>>
        %dma_start3A_889 = tpu.memref_slice %arg9[%dma_start3A_878] : memref<2x!tpu.dma_semaphore, #tpu.memory_space<semaphore_mem>> -> memref<1x!tpu.dma_semaphore, #tpu.memory_space<semaphore_mem>>
        %dma_start3A_890 = tpu.memref_squeeze %dma_start3A_889 : memref<1x!tpu.dma_semaphore, #tpu.memory_space<semaphore_mem>> -> memref<!tpu.dma_semaphore, #tpu.memory_space<semaphore_mem>>
        tpu.enqueue_indirect_dma source(%dma_start3A_888 : memref<1000000x128xf32, #tpu.memory_space<hbm>>) target(%dma_start3A_882 : memref<100x128xf32, #tpu.memory_space<vmem>>) offsets(%dma_start3A_885 : memref<100xi32, #tpu.memory_space<vmem>>) semaphore(%dma_start3A_890 : memref<!tpu.dma_semaphore, #tpu.memory_space<semaphore_mem>>)
      } else {
      }
      %scan3A_230 = arith.constant 0 : i32
      %scan3A_231 = arith.constant 200 : i32
      %scan3A_232 = arith.addi %scan3A_230, %scan3A_231 : i32
      %scan3A_233 = arith.constant 1 : i32
      scf.for %scan3A_763 = %scan3A_230 to %scan3A_232 step %scan3A_233  : i32 {
        %get3A = arith.index_cast %scan3A_763 : i32 to index
        %get3A_764 = arith.constant 0 : index
        %get3A_765 = tpu.vector_load %arg8[%get3A, %get3A_764] {strides = array<i32>} : memref<200x64xf32, #tpu.memory_space<vmem>>, vector<1x16xf32>,
        %get3A_766 = vector.shape_cast %get3A_765 : vector<1x16xf32> to vector<16xf32>
        %swap3A = arith.constant 0 : i32
        %swap3A_767 = arith.index_cast %swap3A : i32 to index
        %swap3A_768 = arith.index_cast %scan3A_763 : i32 to index
        %swap3A_769 = arith.constant 0 : index
        %swap3A_770 = tpu.vector_load %arg7[%swap3A_767, %swap3A_768, %swap3A_769] {strides = array<i32>} : memref<2x200x128xf32, #tpu.memory_space<vmem>>, vector<1x1x16xf32>,
        %swap3A_771 = vector.shape_cast %swap3A_770 : vector<1x1x16xf32> to vector<16xf32>
        %swap3A_772 = vector.shape_cast %get3A_766 : vector<16xf32> to vector<1x1x16xf32>
        tpu.vector_store %arg7[%swap3A_767, %swap3A_768, %swap3A_769], %swap3A_772 {add = true, strides = array<i32>} : memref<2x200x128xf32, #tpu.memory_space<vmem>>, vector<1x1x16xf32>,
        %get3A_773 = arith.index_cast %scan3A_763 : i32 to index
        %get3A_774 = arith.constant 16 : index
        %get3A_775 = tpu.vector_load %arg8[%get3A_773, %get3A_774] {strides = array<i32>} : memref<200x64xf32, #tpu.memory_space<vmem>>, vector<1x16xf32>,
        %get3A_776 = vector.shape_cast %get3A_775 : vector<1x16xf32> to vector<16xf32>
        %swap3A_777 = arith.constant 0 : i32
        %swap3A_778 = arith.index_cast %swap3A_777 : i32 to index
        %swap3A_779 = arith.index_cast %scan3A_763 : i32 to index
        %swap3A_780 = arith.constant 16 : index
        %swap3A_781 = tpu.vector_load %arg7[%swap3A_778, %swap3A_779, %swap3A_780] {strides = array<i32>} : memref<2x200x128xf32, #tpu.memory_space<vmem>>, vector<1x1x16xf32>,
        %swap3A_782 = vector.shape_cast %swap3A_781 : vector<1x1x16xf32> to vector<16xf32>
        %swap3A_783 = vector.shape_cast %get3A_776 : vector<16xf32> to vector<1x1x16xf32>
        tpu.vector_store %arg7[%swap3A_778, %swap3A_779, %swap3A_780], %swap3A_783 {add = true, strides = array<i32>} : memref<2x200x128xf32, #tpu.memory_space<vmem>>, vector<1x1x16xf32>,
        %get3A_784 = arith.index_cast %scan3A_763 : i32 to index
        %get3A_785 = arith.constant 32 : index
        %get3A_786 = tpu.vector_load %arg8[%get3A_784, %get3A_785] {strides = array<i32>} : memref<200x64xf32, #tpu.memory_space<vmem>>, vector<1x16xf32>,
        %get3A_787 = vector.shape_cast %get3A_786 : vector<1x16xf32> to vector<16xf32>
        %swap3A_788 = arith.constant 0 : i32
        %swap3A_789 = arith.index_cast %swap3A_788 : i32 to index
        %swap3A_790 = arith.index_cast %scan3A_763 : i32 to index
        %swap3A_791 = arith.constant 32 : index
        %swap3A_792 = tpu.vector_load %arg7[%swap3A_789, %swap3A_790, %swap3A_791] {strides = array<i32>} : memref<2x200x128xf32, #tpu.memory_space<vmem>>, vector<1x1x16xf32>,
        %swap3A_793 = vector.shape_cast %swap3A_792 : vector<1x1x16xf32> to vector<16xf32>
        %swap3A_794 = vector.shape_cast %get3A_787 : vector<16xf32> to vector<1x1x16xf32>
        tpu.vector_store %arg7[%swap3A_789, %swap3A_790, %swap3A_791], %swap3A_794 {add = true, strides = array<i32>} : memref<2x200x128xf32, #tpu.memory_space<vmem>>, vector<1x1x16xf32>,
        %get3A_795 = arith.index_cast %scan3A_763 : i32 to index
        %get3A_796 = arith.constant 48 : index
        %get3A_797 = tpu.vector_load %arg8[%get3A_795, %get3A_796] {strides = array<i32>} : memref<200x64xf32, #tpu.memory_space<vmem>>, vector<1x16xf32>,
        %get3A_798 = vector.shape_cast %get3A_797 : vector<1x16xf32> to vector<16xf32>
        %swap3A_799 = arith.constant 0 : i32
        %swap3A_800 = arith.index_cast %swap3A_799 : i32 to index
        %swap3A_801 = arith.index_cast %scan3A_763 : i32 to index
        %swap3A_802 = arith.constant 48 : index
        %swap3A_803 = tpu.vector_load %arg7[%swap3A_800, %swap3A_801, %swap3A_802] {strides = array<i32>} : memref<2x200x128xf32, #tpu.memory_space<vmem>>, vector<1x1x16xf32>,
        %swap3A_804 = vector.shape_cast %swap3A_803 : vector<1x1x16xf32> to vector<16xf32>
        %swap3A_805 = vector.shape_cast %get3A_798 : vector<16xf32> to vector<1x1x16xf32>
        tpu.vector_store %arg7[%swap3A_800, %swap3A_801, %swap3A_802], %swap3A_805 {add = true, strides = array<i32>} : memref<2x200x128xf32, #tpu.memory_space<vmem>>, vector<1x1x16xf32>,
      }
      %scan3A_234 = arith.constant 200 : i32
      %mul3A_235 = arith.constant 200 : i32
      %mul3A_236 = arith.muli %add3A_104, %mul3A_235 : i32
      %add3A_237 = arith.addi %mul3A_2, %mul3A_236 : i32
      %multiple_of3A_238 = tpu.assume_multiple %add3A_237, 8 : i32
      %dma_start3A_239 = arith.constant 0 : i32
      %dma_start3A_240 = arith.constant 0 : i32
      %dma_start3A_241 = arith.constant 0 : i32
      %dma_start3A_242 = arith.constant 0 : i32
      %dma_start3A_243 = tpu.memref_slice %arg7[%dma_start3A_239, %dma_start3A_241, %dma_start3A_242] : memref<2x200x128xf32, #tpu.memory_space<vmem>> -> memref<1x200x128xf32, #tpu.memory_space<vmem>>
      %dma_start3A_244 = tpu.memref_squeeze %dma_start3A_243 : memref<1x200x128xf32, #tpu.memory_space<vmem>> -> memref<200x128xf32, #tpu.memory_space<vmem>>
      %dma_start3A_245 = arith.constant 0 : i32
      %dma_start3A_246 = tpu.memref_slice %arg5[%multiple_of3A_238, %dma_start3A_245] : memref<819200x128xf32, #tpu.memory_space<hbm>> -> memref<200x128xf32, #tpu.memory_space<hbm>>
      %dma_start3A_247 = tpu.memref_slice %arg10[%dma_start3A_240] : memref<2x!tpu.dma_semaphore, #tpu.memory_space<semaphore_mem>> -> memref<1x!tpu.dma_semaphore, #tpu.memory_space<semaphore_mem>>
      %dma_start3A_248 = tpu.memref_squeeze %dma_start3A_247 : memref<1x!tpu.dma_semaphore, #tpu.memory_space<semaphore_mem>> -> memref<!tpu.dma_semaphore, #tpu.memory_space<semaphore_mem>>
      %dma_start3A_249 = arith.constant 0 : i32
      %dma_start3A_250 = tpu.memref_slice %arg5[%multiple_of3A_238, %dma_start3A_249] : memref<819200x128xf32, #tpu.memory_space<hbm>> -> memref<200x128xf32, #tpu.memory_space<hbm>>
      %dma_start3A_251 = arith.constant 0 : i32
      %dma_start3A_252 = arith.constant 0 : i32
      %dma_start3A_253 = tpu.memref_slice %arg7[%dma_start3A_239, %dma_start3A_251, %dma_start3A_252] : memref<2x200x128xf32, #tpu.memory_space<vmem>> -> memref<1x200x128xf32, #tpu.memory_space<vmem>>
      %dma_start3A_254 = tpu.memref_squeeze %dma_start3A_253 : memref<1x200x128xf32, #tpu.memory_space<vmem>> -> memref<200x128xf32, #tpu.memory_space<vmem>>
      tpu.enqueue_dma source(%dma_start3A_254 : memref<200x128xf32, #tpu.memory_space<vmem>>) target(%dma_start3A_250 : memref<200x128xf32, #tpu.memory_space<hbm>>) target_semaphore(%dma_start3A_248 : memref<!tpu.dma_semaphore, #tpu.memory_space<semaphore_mem>>)
      %mul3A_255 = arith.constant 4 : i32
      %mul3A_256 = arith.muli %mul3A_255, %scan3A_100 : i32
      %add3A_257 = arith.constant 1 : i32
      %add3A_258 = arith.addi %mul3A_256, %add3A_257 : i32
      %jit3A_259 = arith.constant 4 : i32
      %div3A_260 = arith.divsi %add3A_258, %jit3A_259 : i32
      %sign3A_261 = arith.constant 0 : i32
      %sign3A_262 = arith.cmpi sgt, %add3A_258, %sign3A_261 : i32
      %sign3A_263 = arith.extui %sign3A_262 : i1 to i32
      %sign3A_264 = arith.constant 0 : i32
      %sign3A_265 = arith.cmpi slt, %add3A_258, %sign3A_264 : i32
      %sign3A_266 = arith.extui %sign3A_265 : i1 to i32
      %sign3A_267 = arith.subi %sign3A_263, %sign3A_266 : i32
      %sign3A_268 = arith.constant 0 : i32
      %sign3A_269 = arith.cmpi sgt, %jit3A_259, %sign3A_268 : i32
      %sign3A_270 = arith.extui %sign3A_269 : i1 to i32
      %sign3A_271 = arith.constant 0 : i32
      %sign3A_272 = arith.cmpi slt, %jit3A_259, %sign3A_271 : i32
      %sign3A_273 = arith.extui %sign3A_272 : i1 to i32
      %sign3A_274 = arith.subi %sign3A_270, %sign3A_273 : i32
      %ne3A_275 = arith.cmpi ne, %sign3A_267, %sign3A_274 : i32
      %rem3A_276 = arith.remsi %add3A_258, %jit3A_259 : i32
      %ne3A_277 = arith.constant 0 : i32
      %ne3A_278 = arith.cmpi ne, %rem3A_276, %ne3A_277 : i32
      %and3A_279 = arith.andi %ne3A_275, %ne3A_278 : i1
      %sub3A_280 = arith.constant 1 : i32
      %sub3A_281 = arith.subi %div3A_260, %sub3A_280 : i32
      %select_n3A_282 = arith.select %and3A_279, %sub3A_281, %div3A_260 : i32
      %and3A_283 = arith.constant 1 : i32
      %and3A_284 = arith.andi %select_n3A_282, %and3A_283 : i32
      %mul3A_285 = arith.constant 8 : i32
      %mul3A_286 = arith.muli %and3A_284, %mul3A_285 : i32
      %jit3A_287 = arith.constant 4 : i32
      %eq3A_288 = arith.constant 0 : i32
      %eq3A_289 = arith.cmpi eq, %jit3A_287, %eq3A_288 : i32
      %jit3A_290 = arith.constant 1 : i32
      %select_n3A_291 = arith.select %eq3A_289, %jit3A_290, %jit3A_287 : i32
      %rem3A_292 = arith.remsi %add3A_258, %select_n3A_291 : i32
      %ne3A_293 = arith.constant 0 : i32
      %ne3A_294 = arith.cmpi ne, %rem3A_292, %ne3A_293 : i32
      %lt3A_295 = arith.constant 0 : i32
      %lt3A_296 = arith.cmpi slt, %rem3A_292, %lt3A_295 : i32
      %lt3A_297 = arith.constant 0 : i32
      %lt3A_298 = arith.cmpi slt, %select_n3A_291, %lt3A_297 : i32
      %ne3A_299 = arith.xori %lt3A_296, %lt3A_298 : i1
      %and3A_300 = arith.andi %ne3A_299, %ne3A_294 : i1
      %add3A_301 = arith.addi %rem3A_292, %select_n3A_291 : i32
      %select_n3A_302 = arith.select %and3A_300, %add3A_301, %rem3A_292 : i32
      %mul3A_303 = arith.constant 2 : i32
      %mul3A_304 = arith.muli %select_n3A_302, %mul3A_303 : i32
      %add3A_305 = arith.addi %mul3A_286, %mul3A_304 : i32
      %add3A_306 = arith.constant 0 : i32
      %add3A_307 = arith.addi %add3A_305, %add3A_306 : i32
      %dma_wait3A_308 = arith.constant 1 : i32
      %dma_wait3A_309 = arith.constant 1 : i32
      %dma_wait3A_310 = arith.constant 0 : i32
      %dma_wait3A_311 = arith.constant 0 : i32
      %dma_wait3A_312 = tpu.memref_slice %arg7[%dma_wait3A_308, %dma_wait3A_310, %dma_wait3A_311] : memref<2x200x128xf32, #tpu.memory_space<vmem>> -> memref<1x100x128xf32, #tpu.memory_space<vmem>>
      %dma_wait3A_313 = tpu.memref_squeeze %dma_wait3A_312 : memref<1x100x128xf32, #tpu.memory_space<vmem>> -> memref<100x128xf32, #tpu.memory_space<vmem>>
      %dma_wait3A_314 = arith.constant 0 : i32
      %dma_wait3A_315 = tpu.memref_slice %arg6[%add3A_307, %dma_wait3A_314] : memref<16x100xi32, #tpu.memory_space<vmem>> -> memref<1x100xi32, #tpu.memory_space<vmem>>
      %dma_wait3A_316 = tpu.memref_squeeze %dma_wait3A_315 : memref<1x100xi32, #tpu.memory_space<vmem>> -> memref<100xi32, #tpu.memory_space<vmem>>
      %dma_wait3A_317 = arith.constant 0 : i32
      %dma_wait3A_318 = arith.constant 0 : i32
      %dma_wait3A_319 = tpu.memref_slice %arg3[%dma_wait3A_317, %dma_wait3A_318] : memref<1000000x128xf32, #tpu.memory_space<hbm>> -> memref<1000000x128xf32, #tpu.memory_space<hbm>>
      %dma_wait3A_320 = tpu.memref_slice %arg9[%dma_wait3A_309] : memref<2x!tpu.dma_semaphore, #tpu.memory_space<semaphore_mem>> -> memref<1x!tpu.dma_semaphore, #tpu.memory_space<semaphore_mem>>
      %dma_wait3A_321 = tpu.memref_squeeze %dma_wait3A_320 : memref<1x!tpu.dma_semaphore, #tpu.memory_space<semaphore_mem>> -> memref<!tpu.dma_semaphore, #tpu.memory_space<semaphore_mem>>
      tpu.wait_indirect_dma semaphore(%dma_wait3A_321 : memref<!tpu.dma_semaphore, #tpu.memory_space<semaphore_mem>>) src(%dma_wait3A_319 : memref<1000000x128xf32, #tpu.memory_space<hbm>>) dst(%dma_wait3A_313 : memref<100x128xf32, #tpu.memory_space<vmem>>)
      %jit3A_322 = arith.constant 4 : i32
      %div3A_323 = arith.divsi %add3A_258, %jit3A_322 : i32
      %sign3A_324 = arith.constant 0 : i32
      %sign3A_325 = arith.cmpi sgt, %add3A_258, %sign3A_324 : i32
      %sign3A_326 = arith.extui %sign3A_325 : i1 to i32
      %sign3A_327 = arith.constant 0 : i32
      %sign3A_328 = arith.cmpi slt, %add3A_258, %sign3A_327 : i32
      %sign3A_329 = arith.extui %sign3A_328 : i1 to i32
      %sign3A_330 = arith.subi %sign3A_326, %sign3A_329 : i32
      %sign3A_331 = arith.constant 0 : i32
      %sign3A_332 = arith.cmpi sgt, %jit3A_322, %sign3A_331 : i32
      %sign3A_333 = arith.extui %sign3A_332 : i1 to i32
      %sign3A_334 = arith.constant 0 : i32
      %sign3A_335 = arith.cmpi slt, %jit3A_322, %sign3A_334 : i32
      %sign3A_336 = arith.extui %sign3A_335 : i1 to i32
      %sign3A_337 = arith.subi %sign3A_333, %sign3A_336 : i32
      %ne3A_338 = arith.cmpi ne, %sign3A_330, %sign3A_337 : i32
      %rem3A_339 = arith.remsi %add3A_258, %jit3A_322 : i32
      %ne3A_340 = arith.constant 0 : i32
      %ne3A_341 = arith.cmpi ne, %rem3A_339, %ne3A_340 : i32
      %and3A_342 = arith.andi %ne3A_338, %ne3A_341 : i1
      %sub3A_343 = arith.constant 1 : i32
      %sub3A_344 = arith.subi %div3A_323, %sub3A_343 : i32
      %select_n3A_345 = arith.select %and3A_342, %sub3A_344, %div3A_323 : i32
      %and3A_346 = arith.constant 1 : i32
      %and3A_347 = arith.andi %select_n3A_345, %and3A_346 : i32
      %mul3A_348 = arith.constant 8 : i32
      %mul3A_349 = arith.muli %and3A_347, %mul3A_348 : i32
      %jit3A_350 = arith.constant 4 : i32
      %eq3A_351 = arith.constant 0 : i32
      %eq3A_352 = arith.cmpi eq, %jit3A_350, %eq3A_351 : i32
      %jit3A_353 = arith.constant 1 : i32
      %select_n3A_354 = arith.select %eq3A_352, %jit3A_353, %jit3A_350 : i32
      %rem3A_355 = arith.remsi %add3A_258, %select_n3A_354 : i32
      %ne3A_356 = arith.constant 0 : i32
      %ne3A_357 = arith.cmpi ne, %rem3A_355, %ne3A_356 : i32
      %lt3A_358 = arith.constant 0 : i32
      %lt3A_359 = arith.cmpi slt, %rem3A_355, %lt3A_358 : i32
      %lt3A_360 = arith.constant 0 : i32
      %lt3A_361 = arith.cmpi slt, %select_n3A_354, %lt3A_360 : i32
      %ne3A_362 = arith.xori %lt3A_359, %lt3A_361 : i1
      %and3A_363 = arith.andi %ne3A_362, %ne3A_357 : i1
      %add3A_364 = arith.addi %rem3A_355, %select_n3A_354 : i32
      %select_n3A_365 = arith.select %and3A_363, %add3A_364, %rem3A_355 : i32
      %mul3A_366 = arith.constant 2 : i32
      %mul3A_367 = arith.muli %select_n3A_365, %mul3A_366 : i32
      %add3A_368 = arith.addi %mul3A_349, %mul3A_367 : i32
      %add3A_369 = arith.constant 1 : i32
      %add3A_370 = arith.addi %add3A_368, %add3A_369 : i32
      %dma_wait3A_371 = arith.constant 1 : i32
      %dma_wait3A_372 = arith.constant 1 : i32
      %dma_wait3A_373 = arith.constant 100 : i32
      %dma_wait3A_374 = arith.constant 0 : i32
      %dma_wait3A_375 = tpu.memref_slice %arg7[%dma_wait3A_371, %dma_wait3A_373, %dma_wait3A_374] : memref<2x200x128xf32, #tpu.memory_space<vmem>> -> memref<1x100x128xf32, #tpu.memory_space<vmem>>
      %dma_wait3A_376 = tpu.memref_squeeze %dma_wait3A_375 : memref<1x100x128xf32, #tpu.memory_space<vmem>> -> memref<100x128xf32, #tpu.memory_space<vmem>>
      %dma_wait3A_377 = arith.constant 0 : i32
      %dma_wait3A_378 = tpu.memref_slice %arg6[%add3A_370, %dma_wait3A_377] : memref<16x100xi32, #tpu.memory_space<vmem>> -> memref<1x100xi32, #tpu.memory_space<vmem>>
      %dma_wait3A_379 = tpu.memref_squeeze %dma_wait3A_378 : memref<1x100xi32, #tpu.memory_space<vmem>> -> memref<100xi32, #tpu.memory_space<vmem>>
      %dma_wait3A_380 = arith.constant 0 : i32
      %dma_wait3A_381 = arith.constant 0 : i32
      %dma_wait3A_382 = tpu.memref_slice %arg3[%dma_wait3A_380, %dma_wait3A_381] : memref<1000000x128xf32, #tpu.memory_space<hbm>> -> memref<1000000x128xf32, #tpu.memory_space<hbm>>
      %dma_wait3A_383 = tpu.memref_slice %arg9[%dma_wait3A_372] : memref<2x!tpu.dma_semaphore, #tpu.memory_space<semaphore_mem>> -> memref<1x!tpu.dma_semaphore, #tpu.memory_space<semaphore_mem>>
      %dma_wait3A_384 = tpu.memref_squeeze %dma_wait3A_383 : memref<1x!tpu.dma_semaphore, #tpu.memory_space<semaphore_mem>> -> memref<!tpu.dma_semaphore, #tpu.memory_space<semaphore_mem>>
      tpu.wait_indirect_dma semaphore(%dma_wait3A_384 : memref<!tpu.dma_semaphore, #tpu.memory_space<semaphore_mem>>) src(%dma_wait3A_382 : memref<1000000x128xf32, #tpu.memory_space<hbm>>) dst(%dma_wait3A_376 : memref<100x128xf32, #tpu.memory_space<vmem>>)
      %ge3A_385 = arith.constant 1 : i32
      %ge3A_386 = arith.cmpi sge, %add3A_258, %ge3A_385 : i32
      %convert_element_type3A_387 = arith.extui %ge3A_386 : i1 to i32
      %cond3A_388 = arith.constant 0 : i32
      %cond3A_389 = arith.cmpi ne, %convert_element_type3A_387, %cond3A_388 : i32
      scf.if %cond3A_389 {
        %sub3A_763 = arith.constant 1 : i32
        %sub3A_764 = arith.subi %add3A_258, %sub3A_763 : i32
        %mul3A_765 = arith.constant 200 : i32
        %mul3A_766 = arith.muli %sub3A_764, %mul3A_765 : i32
        %add3A_767 = arith.addi %mul3A_2, %mul3A_766 : i32
        %multiple_of3A_768 = tpu.assume_multiple %add3A_767, 8 : i32
        %dma_wait3A_769 = arith.constant 0 : i32
        %dma_wait3A_770 = arith.constant 0 : i32
        %dma_wait3A_771 = arith.constant 0 : i32
        %dma_wait3A_772 = arith.constant 0 : i32
        %dma_wait3A_773 = tpu.memref_slice %arg7[%dma_wait3A_769, %dma_wait3A_771, %dma_wait3A_772] : memref<2x200x128xf32, #tpu.memory_space<vmem>> -> memref<1x200x128xf32, #tpu.memory_space<vmem>>
        %dma_wait3A_774 = tpu.memref_squeeze %dma_wait3A_773 : memref<1x200x128xf32, #tpu.memory_space<vmem>> -> memref<200x128xf32, #tpu.memory_space<vmem>>
        %dma_wait3A_775 = arith.constant 0 : i32
        %dma_wait3A_776 = tpu.memref_slice %arg5[%multiple_of3A_768, %dma_wait3A_775] : memref<819200x128xf32, #tpu.memory_space<hbm>> -> memref<200x128xf32, #tpu.memory_space<hbm>>
        %dma_wait3A_777 = tpu.memref_slice %arg10[%dma_wait3A_770] : memref<2x!tpu.dma_semaphore, #tpu.memory_space<semaphore_mem>> -> memref<1x!tpu.dma_semaphore, #tpu.memory_space<semaphore_mem>>
        %dma_wait3A_778 = tpu.memref_squeeze %dma_wait3A_777 : memref<1x!tpu.dma_semaphore, #tpu.memory_space<semaphore_mem>> -> memref<!tpu.dma_semaphore, #tpu.memory_space<semaphore_mem>>
        %dma_wait3A_779 = arith.constant 0 : i32
        %dma_wait3A_780 = tpu.memref_slice %arg5[%multiple_of3A_768, %dma_wait3A_779] : memref<819200x128xf32, #tpu.memory_space<hbm>> -> memref<200x128xf32, #tpu.memory_space<hbm>>
        %dma_wait3A_781 = arith.constant 0 : i32
        %dma_wait3A_782 = arith.constant 0 : i32
        %dma_wait3A_783 = tpu.memref_slice %arg7[%dma_wait3A_769, %dma_wait3A_781, %dma_wait3A_782] : memref<2x200x128xf32, #tpu.memory_space<vmem>> -> memref<1x200x128xf32, #tpu.memory_space<vmem>>
        %dma_wait3A_784 = tpu.memref_squeeze %dma_wait3A_783 : memref<1x200x128xf32, #tpu.memory_space<vmem>> -> memref<200x128xf32, #tpu.memory_space<vmem>>
        tpu.wait_dma2 semaphore(%dma_wait3A_778 : memref<!tpu.dma_semaphore, #tpu.memory_space<semaphore_mem>>) src(%dma_wait3A_784 : memref<200x128xf32, #tpu.memory_space<vmem>>) dst(%dma_wait3A_780 : memref<200x128xf32, #tpu.memory_space<hbm>>)
      } else {
      }
      %add3A_390 = arith.constant 1 : i32
      %add3A_391 = arith.addi %add3A_258, %add3A_390 : i32
      %lt3A_392 = arith.constant 128 : i32
      %lt3A_393 = arith.cmpi slt, %add3A_391, %lt3A_392 : i32
      %convert_element_type3A_394 = arith.extui %lt3A_393 : i1 to i32
      %cond3A_395 = arith.constant 0 : i32
      %cond3A_396 = arith.cmpi ne, %convert_element_type3A_394, %cond3A_395 : i32
      scf.if %cond3A_396 {
        %add3A_763 = arith.constant 1 : i32
        %add3A_764 = arith.addi %add3A_258, %add3A_763 : i32
        %jit3A_765 = arith.constant 4 : i32
        %div3A_766 = arith.divsi %add3A_764, %jit3A_765 : i32
        %sign3A_767 = arith.constant 0 : i32
        %sign3A_768 = arith.cmpi sgt, %add3A_764, %sign3A_767 : i32
        %sign3A_769 = arith.extui %sign3A_768 : i1 to i32
        %sign3A_770 = arith.constant 0 : i32
        %sign3A_771 = arith.cmpi slt, %add3A_764, %sign3A_770 : i32
        %sign3A_772 = arith.extui %sign3A_771 : i1 to i32
        %sign3A_773 = arith.subi %sign3A_769, %sign3A_772 : i32
        %sign3A_774 = arith.constant 0 : i32
        %sign3A_775 = arith.cmpi sgt, %jit3A_765, %sign3A_774 : i32
        %sign3A_776 = arith.extui %sign3A_775 : i1 to i32
        %sign3A_777 = arith.constant 0 : i32
        %sign3A_778 = arith.cmpi slt, %jit3A_765, %sign3A_777 : i32
        %sign3A_779 = arith.extui %sign3A_778 : i1 to i32
        %sign3A_780 = arith.subi %sign3A_776, %sign3A_779 : i32
        %ne3A_781 = arith.cmpi ne, %sign3A_773, %sign3A_780 : i32
        %rem3A_782 = arith.remsi %add3A_764, %jit3A_765 : i32
        %ne3A_783 = arith.constant 0 : i32
        %ne3A_784 = arith.cmpi ne, %rem3A_782, %ne3A_783 : i32
        %and3A_785 = arith.andi %ne3A_781, %ne3A_784 : i1
        %sub3A_786 = arith.constant 1 : i32
        %sub3A_787 = arith.subi %div3A_766, %sub3A_786 : i32
        %select_n3A_788 = arith.select %and3A_785, %sub3A_787, %div3A_766 : i32
        %and3A_789 = arith.constant 1 : i32
        %and3A_790 = arith.andi %select_n3A_788, %and3A_789 : i32
        %mul3A_791 = arith.constant 8 : i32
        %mul3A_792 = arith.muli %and3A_790, %mul3A_791 : i32
        %jit3A_793 = arith.constant 4 : i32
        %eq3A_794 = arith.constant 0 : i32
        %eq3A_795 = arith.cmpi eq, %jit3A_793, %eq3A_794 : i32
        %jit3A_796 = arith.constant 1 : i32
        %select_n3A_797 = arith.select %eq3A_795, %jit3A_796, %jit3A_793 : i32
        %rem3A_798 = arith.remsi %add3A_764, %select_n3A_797 : i32
        %ne3A_799 = arith.constant 0 : i32
        %ne3A_800 = arith.cmpi ne, %rem3A_798, %ne3A_799 : i32
        %lt3A_801 = arith.constant 0 : i32
        %lt3A_802 = arith.cmpi slt, %rem3A_798, %lt3A_801 : i32
        %lt3A_803 = arith.constant 0 : i32
        %lt3A_804 = arith.cmpi slt, %select_n3A_797, %lt3A_803 : i32
        %ne3A_805 = arith.xori %lt3A_802, %lt3A_804 : i1
        %and3A_806 = arith.andi %ne3A_805, %ne3A_800 : i1
        %add3A_807 = arith.addi %rem3A_798, %select_n3A_797 : i32
        %select_n3A_808 = arith.select %and3A_806, %add3A_807, %rem3A_798 : i32
        %mul3A_809 = arith.constant 2 : i32
        %mul3A_810 = arith.muli %select_n3A_808, %mul3A_809 : i32
        %add3A_811 = arith.addi %mul3A_792, %mul3A_810 : i32
        %add3A_812 = arith.constant 0 : i32
        %add3A_813 = arith.addi %add3A_811, %add3A_812 : i32
        %dma_start3A_814 = arith.constant 0 : i32
        %dma_start3A_815 = arith.constant 0 : i32
        %dma_start3A_816 = arith.constant 0 : i32
        %dma_start3A_817 = arith.constant 0 : i32
        %dma_start3A_818 = tpu.memref_slice %arg7[%dma_start3A_814, %dma_start3A_816, %dma_start3A_817] : memref<2x200x128xf32, #tpu.memory_space<vmem>> -> memref<1x100x128xf32, #tpu.memory_space<vmem>>
        %dma_start3A_819 = tpu.memref_squeeze %dma_start3A_818 : memref<1x100x128xf32, #tpu.memory_space<vmem>> -> memref<100x128xf32, #tpu.memory_space<vmem>>
        %dma_start3A_820 = arith.constant 0 : i32
        %dma_start3A_821 = tpu.memref_slice %arg6[%add3A_813, %dma_start3A_820] : memref<16x100xi32, #tpu.memory_space<vmem>> -> memref<1x100xi32, #tpu.memory_space<vmem>>
        %dma_start3A_822 = tpu.memref_squeeze %dma_start3A_821 : memref<1x100xi32, #tpu.memory_space<vmem>> -> memref<100xi32, #tpu.memory_space<vmem>>
        %dma_start3A_823 = arith.constant 0 : i32
        %dma_start3A_824 = arith.constant 0 : i32
        %dma_start3A_825 = tpu.memref_slice %arg3[%dma_start3A_823, %dma_start3A_824] : memref<1000000x128xf32, #tpu.memory_space<hbm>> -> memref<1000000x128xf32, #tpu.memory_space<hbm>>
        %dma_start3A_826 = tpu.memref_slice %arg9[%dma_start3A_815] : memref<2x!tpu.dma_semaphore, #tpu.memory_space<semaphore_mem>> -> memref<1x!tpu.dma_semaphore, #tpu.memory_space<semaphore_mem>>
        %dma_start3A_827 = tpu.memref_squeeze %dma_start3A_826 : memref<1x!tpu.dma_semaphore, #tpu.memory_space<semaphore_mem>> -> memref<!tpu.dma_semaphore, #tpu.memory_space<semaphore_mem>>
        tpu.enqueue_indirect_dma source(%dma_start3A_825 : memref<1000000x128xf32, #tpu.memory_space<hbm>>) target(%dma_start3A_819 : memref<100x128xf32, #tpu.memory_space<vmem>>) offsets(%dma_start3A_822 : memref<100xi32, #tpu.memory_space<vmem>>) semaphore(%dma_start3A_827 : memref<!tpu.dma_semaphore, #tpu.memory_space<semaphore_mem>>)
        %jit3A_828 = arith.constant 4 : i32
        %div3A_829 = arith.divsi %add3A_764, %jit3A_828 : i32
        %sign3A_830 = arith.constant 0 : i32
        %sign3A_831 = arith.cmpi sgt, %add3A_764, %sign3A_830 : i32
        %sign3A_832 = arith.extui %sign3A_831 : i1 to i32
        %sign3A_833 = arith.constant 0 : i32
        %sign3A_834 = arith.cmpi slt, %add3A_764, %sign3A_833 : i32
        %sign3A_835 = arith.extui %sign3A_834 : i1 to i32
        %sign3A_836 = arith.subi %sign3A_832, %sign3A_835 : i32
        %sign3A_837 = arith.constant 0 : i32
        %sign3A_838 = arith.cmpi sgt, %jit3A_828, %sign3A_837 : i32
        %sign3A_839 = arith.extui %sign3A_838 : i1 to i32
        %sign3A_840 = arith.constant 0 : i32
        %sign3A_841 = arith.cmpi slt, %jit3A_828, %sign3A_840 : i32
        %sign3A_842 = arith.extui %sign3A_841 : i1 to i32
        %sign3A_843 = arith.subi %sign3A_839, %sign3A_842 : i32
        %ne3A_844 = arith.cmpi ne, %sign3A_836, %sign3A_843 : i32
        %rem3A_845 = arith.remsi %add3A_764, %jit3A_828 : i32
        %ne3A_846 = arith.constant 0 : i32
        %ne3A_847 = arith.cmpi ne, %rem3A_845, %ne3A_846 : i32
        %and3A_848 = arith.andi %ne3A_844, %ne3A_847 : i1
        %sub3A_849 = arith.constant 1 : i32
        %sub3A_850 = arith.subi %div3A_829, %sub3A_849 : i32
        %select_n3A_851 = arith.select %and3A_848, %sub3A_850, %div3A_829 : i32
        %and3A_852 = arith.constant 1 : i32
        %and3A_853 = arith.andi %select_n3A_851, %and3A_852 : i32
        %mul3A_854 = arith.constant 8 : i32
        %mul3A_855 = arith.muli %and3A_853, %mul3A_854 : i32
        %jit3A_856 = arith.constant 4 : i32
        %eq3A_857 = arith.constant 0 : i32
        %eq3A_858 = arith.cmpi eq, %jit3A_856, %eq3A_857 : i32
        %jit3A_859 = arith.constant 1 : i32
        %select_n3A_860 = arith.select %eq3A_858, %jit3A_859, %jit3A_856 : i32
        %rem3A_861 = arith.remsi %add3A_764, %select_n3A_860 : i32
        %ne3A_862 = arith.constant 0 : i32
        %ne3A_863 = arith.cmpi ne, %rem3A_861, %ne3A_862 : i32
        %lt3A_864 = arith.constant 0 : i32
        %lt3A_865 = arith.cmpi slt, %rem3A_861, %lt3A_864 : i32
        %lt3A_866 = arith.constant 0 : i32
        %lt3A_867 = arith.cmpi slt, %select_n3A_860, %lt3A_866 : i32
        %ne3A_868 = arith.xori %lt3A_865, %lt3A_867 : i1
        %and3A_869 = arith.andi %ne3A_868, %ne3A_863 : i1
        %add3A_870 = arith.addi %rem3A_861, %select_n3A_860 : i32
        %select_n3A_871 = arith.select %and3A_869, %add3A_870, %rem3A_861 : i32
        %mul3A_872 = arith.constant 2 : i32
        %mul3A_873 = arith.muli %select_n3A_871, %mul3A_872 : i32
        %add3A_874 = arith.addi %mul3A_855, %mul3A_873 : i32
        %add3A_875 = arith.constant 1 : i32
        %add3A_876 = arith.addi %add3A_874, %add3A_875 : i32
        %dma_start3A_877 = arith.constant 0 : i32
        %dma_start3A_878 = arith.constant 0 : i32
        %dma_start3A_879 = arith.constant 100 : i32
        %dma_start3A_880 = arith.constant 0 : i32
        %dma_start3A_881 = tpu.memref_slice %arg7[%dma_start3A_877, %dma_start3A_879, %dma_start3A_880] : memref<2x200x128xf32, #tpu.memory_space<vmem>> -> memref<1x100x128xf32, #tpu.memory_space<vmem>>
        %dma_start3A_882 = tpu.memref_squeeze %dma_start3A_881 : memref<1x100x128xf32, #tpu.memory_space<vmem>> -> memref<100x128xf32, #tpu.memory_space<vmem>>
        %dma_start3A_883 = arith.constant 0 : i32
        %dma_start3A_884 = tpu.memref_slice %arg6[%add3A_876, %dma_start3A_883] : memref<16x100xi32, #tpu.memory_space<vmem>> -> memref<1x100xi32, #tpu.memory_space<vmem>>
        %dma_start3A_885 = tpu.memref_squeeze %dma_start3A_884 : memref<1x100xi32, #tpu.memory_space<vmem>> -> memref<100xi32, #tpu.memory_space<vmem>>
        %dma_start3A_886 = arith.constant 0 : i32
        %dma_start3A_887 = arith.constant 0 : i32
        %dma_start3A_888 = tpu.memref_slice %arg3[%dma_start3A_886, %dma_start3A_887] : memref<1000000x128xf32, #tpu.memory_space<hbm>> -> memref<1000000x128xf32, #tpu.memory_space<hbm>>
        %dma_start3A_889 = tpu.memref_slice %arg9[%dma_start3A_878] : memref<2x!tpu.dma_semaphore, #tpu.memory_space<semaphore_mem>> -> memref<1x!tpu.dma_semaphore, #tpu.memory_space<semaphore_mem>>
        %dma_start3A_890 = tpu.memref_squeeze %dma_start3A_889 : memref<1x!tpu.dma_semaphore, #tpu.memory_space<semaphore_mem>> -> memref<!tpu.dma_semaphore, #tpu.memory_space<semaphore_mem>>
        tpu.enqueue_indirect_dma source(%dma_start3A_888 : memref<1000000x128xf32, #tpu.memory_space<hbm>>) target(%dma_start3A_882 : memref<100x128xf32, #tpu.memory_space<vmem>>) offsets(%dma_start3A_885 : memref<100xi32, #tpu.memory_space<vmem>>) semaphore(%dma_start3A_890 : memref<!tpu.dma_semaphore, #tpu.memory_space<semaphore_mem>>)
      } else {
      }
      %scan3A_397 = arith.constant 0 : i32
      %scan3A_398 = arith.constant 200 : i32
      %scan3A_399 = arith.addi %scan3A_397, %scan3A_398 : i32
      %scan3A_400 = arith.constant 1 : i32
      scf.for %scan3A_763 = %scan3A_397 to %scan3A_399 step %scan3A_400  : i32 {
        %get3A = arith.index_cast %scan3A_763 : i32 to index
        %get3A_764 = arith.constant 0 : index
        %get3A_765 = tpu.vector_load %arg8[%get3A, %get3A_764] {strides = array<i32>} : memref<200x64xf32, #tpu.memory_space<vmem>>, vector<1x16xf32>,
        %get3A_766 = vector.shape_cast %get3A_765 : vector<1x16xf32> to vector<16xf32>
        %swap3A = arith.constant 1 : i32
        %swap3A_767 = arith.index_cast %swap3A : i32 to index
        %swap3A_768 = arith.index_cast %scan3A_763 : i32 to index
        %swap3A_769 = arith.constant 0 : index
        %swap3A_770 = tpu.vector_load %arg7[%swap3A_767, %swap3A_768, %swap3A_769] {strides = array<i32>} : memref<2x200x128xf32, #tpu.memory_space<vmem>>, vector<1x1x16xf32>,
        %swap3A_771 = vector.shape_cast %swap3A_770 : vector<1x1x16xf32> to vector<16xf32>
        %swap3A_772 = vector.shape_cast %get3A_766 : vector<16xf32> to vector<1x1x16xf32>
        tpu.vector_store %arg7[%swap3A_767, %swap3A_768, %swap3A_769], %swap3A_772 {add = true, strides = array<i32>} : memref<2x200x128xf32, #tpu.memory_space<vmem>>, vector<1x1x16xf32>,
        %get3A_773 = arith.index_cast %scan3A_763 : i32 to index
        %get3A_774 = arith.constant 16 : index
        %get3A_775 = tpu.vector_load %arg8[%get3A_773, %get3A_774] {strides = array<i32>} : memref<200x64xf32, #tpu.memory_space<vmem>>, vector<1x16xf32>,
        %get3A_776 = vector.shape_cast %get3A_775 : vector<1x16xf32> to vector<16xf32>
        %swap3A_777 = arith.constant 1 : i32
        %swap3A_778 = arith.index_cast %swap3A_777 : i32 to index
        %swap3A_779 = arith.index_cast %scan3A_763 : i32 to index
        %swap3A_780 = arith.constant 16 : index
        %swap3A_781 = tpu.vector_load %arg7[%swap3A_778, %swap3A_779, %swap3A_780] {strides = array<i32>} : memref<2x200x128xf32, #tpu.memory_space<vmem>>, vector<1x1x16xf32>,
        %swap3A_782 = vector.shape_cast %swap3A_781 : vector<1x1x16xf32> to vector<16xf32>
        %swap3A_783 = vector.shape_cast %get3A_776 : vector<16xf32> to vector<1x1x16xf32>
        tpu.vector_store %arg7[%swap3A_778, %swap3A_779, %swap3A_780], %swap3A_783 {add = true, strides = array<i32>} : memref<2x200x128xf32, #tpu.memory_space<vmem>>, vector<1x1x16xf32>,
        %get3A_784 = arith.index_cast %scan3A_763 : i32 to index
        %get3A_785 = arith.constant 32 : index
        %get3A_786 = tpu.vector_load %arg8[%get3A_784, %get3A_785] {strides = array<i32>} : memref<200x64xf32, #tpu.memory_space<vmem>>, vector<1x16xf32>,
        %get3A_787 = vector.shape_cast %get3A_786 : vector<1x16xf32> to vector<16xf32>
        %swap3A_788 = arith.constant 1 : i32
        %swap3A_789 = arith.index_cast %swap3A_788 : i32 to index
        %swap3A_790 = arith.index_cast %scan3A_763 : i32 to index
        %swap3A_791 = arith.constant 32 : index
        %swap3A_792 = tpu.vector_load %arg7[%swap3A_789, %swap3A_790, %swap3A_791] {strides = array<i32>} : memref<2x200x128xf32, #tpu.memory_space<vmem>>, vector<1x1x16xf32>,
        %swap3A_793 = vector.shape_cast %swap3A_792 : vector<1x1x16xf32> to vector<16xf32>
        %swap3A_794 = vector.shape_cast %get3A_787 : vector<16xf32> to vector<1x1x16xf32>
        tpu.vector_store %arg7[%swap3A_789, %swap3A_790, %swap3A_791], %swap3A_794 {add = true, strides = array<i32>} : memref<2x200x128xf32, #tpu.memory_space<vmem>>, vector<1x1x16xf32>,
        %get3A_795 = arith.index_cast %scan3A_763 : i32 to index
        %get3A_796 = arith.constant 48 : index
        %get3A_797 = tpu.vector_load %arg8[%get3A_795, %get3A_796] {strides = array<i32>} : memref<200x64xf32, #tpu.memory_space<vmem>>, vector<1x16xf32>,
        %get3A_798 = vector.shape_cast %get3A_797 : vector<1x16xf32> to vector<16xf32>
        %swap3A_799 = arith.constant 1 : i32
        %swap3A_800 = arith.index_cast %swap3A_799 : i32 to index
        %swap3A_801 = arith.index_cast %scan3A_763 : i32 to index
        %swap3A_802 = arith.constant 48 : index
        %swap3A_803 = tpu.vector_load %arg7[%swap3A_800, %swap3A_801, %swap3A_802] {strides = array<i32>} : memref<2x200x128xf32, #tpu.memory_space<vmem>>, vector<1x1x16xf32>,
        %swap3A_804 = vector.shape_cast %swap3A_803 : vector<1x1x16xf32> to vector<16xf32>
        %swap3A_805 = vector.shape_cast %get3A_798 : vector<16xf32> to vector<1x1x16xf32>
        tpu.vector_store %arg7[%swap3A_800, %swap3A_801, %swap3A_802], %swap3A_805 {add = true, strides = array<i32>} : memref<2x200x128xf32, #tpu.memory_space<vmem>>, vector<1x1x16xf32>,
      }
      %scan3A_401 = arith.constant 200 : i32
      %mul3A_402 = arith.constant 200 : i32
      %mul3A_403 = arith.muli %add3A_258, %mul3A_402 : i32
      %add3A_404 = arith.addi %mul3A_2, %mul3A_403 : i32
      %multiple_of3A_405 = tpu.assume_multiple %add3A_404, 8 : i32
      %dma_start3A_406 = arith.constant 1 : i32
      %dma_start3A_407 = arith.constant 1 : i32
      %dma_start3A_408 = arith.constant 0 : i32
      %dma_start3A_409 = arith.constant 0 : i32
      %dma_start3A_410 = tpu.memref_slice %arg7[%dma_start3A_406, %dma_start3A_408, %dma_start3A_409] : memref<2x200x128xf32, #tpu.memory_space<vmem>> -> memref<1x200x128xf32, #tpu.memory_space<vmem>>
      %dma_start3A_411 = tpu.memref_squeeze %dma_start3A_410 : memref<1x200x128xf32, #tpu.memory_space<vmem>> -> memref<200x128xf32, #tpu.memory_space<vmem>>
      %dma_start3A_412 = arith.constant 0 : i32
      %dma_start3A_413 = tpu.memref_slice %arg5[%multiple_of3A_405, %dma_start3A_412] : memref<819200x128xf32, #tpu.memory_space<hbm>> -> memref<200x128xf32, #tpu.memory_space<hbm>>
      %dma_start3A_414 = tpu.memref_slice %arg10[%dma_start3A_407] : memref<2x!tpu.dma_semaphore, #tpu.memory_space<semaphore_mem>> -> memref<1x!tpu.dma_semaphore, #tpu.memory_space<semaphore_mem>>
      %dma_start3A_415 = tpu.memref_squeeze %dma_start3A_414 : memref<1x!tpu.dma_semaphore, #tpu.memory_space<semaphore_mem>> -> memref<!tpu.dma_semaphore, #tpu.memory_space<semaphore_mem>>
      %dma_start3A_416 = arith.constant 0 : i32
      %dma_start3A_417 = tpu.memref_slice %arg5[%multiple_of3A_405, %dma_start3A_416] : memref<819200x128xf32, #tpu.memory_space<hbm>> -> memref<200x128xf32, #tpu.memory_space<hbm>>
      %dma_start3A_418 = arith.constant 0 : i32
      %dma_start3A_419 = arith.constant 0 : i32
      %dma_start3A_420 = tpu.memref_slice %arg7[%dma_start3A_406, %dma_start3A_418, %dma_start3A_419] : memref<2x200x128xf32, #tpu.memory_space<vmem>> -> memref<1x200x128xf32, #tpu.memory_space<vmem>>
      %dma_start3A_421 = tpu.memref_squeeze %dma_start3A_420 : memref<1x200x128xf32, #tpu.memory_space<vmem>> -> memref<200x128xf32, #tpu.memory_space<vmem>>
      tpu.enqueue_dma source(%dma_start3A_421 : memref<200x128xf32, #tpu.memory_space<vmem>>) target(%dma_start3A_417 : memref<200x128xf32, #tpu.memory_space<hbm>>) target_semaphore(%dma_start3A_415 : memref<!tpu.dma_semaphore, #tpu.memory_space<semaphore_mem>>)
      %mul3A_422 = arith.constant 4 : i32
      %mul3A_423 = arith.muli %mul3A_422, %scan3A_100 : i32
      %add3A_424 = arith.constant 2 : i32
      %add3A_425 = arith.addi %mul3A_423, %add3A_424 : i32
      %jit3A_426 = arith.constant 4 : i32
      %div3A_427 = arith.divsi %add3A_425, %jit3A_426 : i32
      %sign3A_428 = arith.constant 0 : i32
      %sign3A_429 = arith.cmpi sgt, %add3A_425, %sign3A_428 : i32
      %sign3A_430 = arith.extui %sign3A_429 : i1 to i32
      %sign3A_431 = arith.constant 0 : i32
      %sign3A_432 = arith.cmpi slt, %add3A_425, %sign3A_431 : i32
      %sign3A_433 = arith.extui %sign3A_432 : i1 to i32
      %sign3A_434 = arith.subi %sign3A_430, %sign3A_433 : i32
      %sign3A_435 = arith.constant 0 : i32
      %sign3A_436 = arith.cmpi sgt, %jit3A_426, %sign3A_435 : i32
      %sign3A_437 = arith.extui %sign3A_436 : i1 to i32
      %sign3A_438 = arith.constant 0 : i32
      %sign3A_439 = arith.cmpi slt, %jit3A_426, %sign3A_438 : i32
      %sign3A_440 = arith.extui %sign3A_439 : i1 to i32
      %sign3A_441 = arith.subi %sign3A_437, %sign3A_440 : i32
      %ne3A_442 = arith.cmpi ne, %sign3A_434, %sign3A_441 : i32
      %rem3A_443 = arith.remsi %add3A_425, %jit3A_426 : i32
      %ne3A_444 = arith.constant 0 : i32
      %ne3A_445 = arith.cmpi ne, %rem3A_443, %ne3A_444 : i32
      %and3A_446 = arith.andi %ne3A_442, %ne3A_445 : i1
      %sub3A_447 = arith.constant 1 : i32
      %sub3A_448 = arith.subi %div3A_427, %sub3A_447 : i32
      %select_n3A_449 = arith.select %and3A_446, %sub3A_448, %div3A_427 : i32
      %and3A_450 = arith.constant 1 : i32
      %and3A_451 = arith.andi %select_n3A_449, %and3A_450 : i32
      %mul3A_452 = arith.constant 8 : i32
      %mul3A_453 = arith.muli %and3A_451, %mul3A_452 : i32
      %jit3A_454 = arith.constant 4 : i32
      %eq3A_455 = arith.constant 0 : i32
      %eq3A_456 = arith.cmpi eq, %jit3A_454, %eq3A_455 : i32
      %jit3A_457 = arith.constant 1 : i32
      %select_n3A_458 = arith.select %eq3A_456, %jit3A_457, %jit3A_454 : i32
      %rem3A_459 = arith.remsi %add3A_425, %select_n3A_458 : i32
      %ne3A_460 = arith.constant 0 : i32
      %ne3A_461 = arith.cmpi ne, %rem3A_459, %ne3A_460 : i32
      %lt3A_462 = arith.constant 0 : i32
      %lt3A_463 = arith.cmpi slt, %rem3A_459, %lt3A_462 : i32
      %lt3A_464 = arith.constant 0 : i32
      %lt3A_465 = arith.cmpi slt, %select_n3A_458, %lt3A_464 : i32
      %ne3A_466 = arith.xori %lt3A_463, %lt3A_465 : i1
      %and3A_467 = arith.andi %ne3A_466, %ne3A_461 : i1
      %add3A_468 = arith.addi %rem3A_459, %select_n3A_458 : i32
      %select_n3A_469 = arith.select %and3A_467, %add3A_468, %rem3A_459 : i32
      %mul3A_470 = arith.constant 2 : i32
      %mul3A_471 = arith.muli %select_n3A_469, %mul3A_470 : i32
      %add3A_472 = arith.addi %mul3A_453, %mul3A_471 : i32
      %add3A_473 = arith.constant 0 : i32
      %add3A_474 = arith.addi %add3A_472, %add3A_473 : i32
      %dma_wait3A_475 = arith.constant 0 : i32
      %dma_wait3A_476 = arith.constant 0 : i32
      %dma_wait3A_477 = arith.constant 0 : i32
      %dma_wait3A_478 = arith.constant 0 : i32
      %dma_wait3A_479 = tpu.memref_slice %arg7[%dma_wait3A_475, %dma_wait3A_477, %dma_wait3A_478] : memref<2x200x128xf32, #tpu.memory_space<vmem>> -> memref<1x100x128xf32, #tpu.memory_space<vmem>>
      %dma_wait3A_480 = tpu.memref_squeeze %dma_wait3A_479 : memref<1x100x128xf32, #tpu.memory_space<vmem>> -> memref<100x128xf32, #tpu.memory_space<vmem>>
      %dma_wait3A_481 = arith.constant 0 : i32
      %dma_wait3A_482 = tpu.memref_slice %arg6[%add3A_474, %dma_wait3A_481] : memref<16x100xi32, #tpu.memory_space<vmem>> -> memref<1x100xi32, #tpu.memory_space<vmem>>
      %dma_wait3A_483 = tpu.memref_squeeze %dma_wait3A_482 : memref<1x100xi32, #tpu.memory_space<vmem>> -> memref<100xi32, #tpu.memory_space<vmem>>
      %dma_wait3A_484 = arith.constant 0 : i32
      %dma_wait3A_485 = arith.constant 0 : i32
      %dma_wait3A_486 = tpu.memref_slice %arg3[%dma_wait3A_484, %dma_wait3A_485] : memref<1000000x128xf32, #tpu.memory_space<hbm>> -> memref<1000000x128xf32, #tpu.memory_space<hbm>>
      %dma_wait3A_487 = tpu.memref_slice %arg9[%dma_wait3A_476] : memref<2x!tpu.dma_semaphore, #tpu.memory_space<semaphore_mem>> -> memref<1x!tpu.dma_semaphore, #tpu.memory_space<semaphore_mem>>
      %dma_wait3A_488 = tpu.memref_squeeze %dma_wait3A_487 : memref<1x!tpu.dma_semaphore, #tpu.memory_space<semaphore_mem>> -> memref<!tpu.dma_semaphore, #tpu.memory_space<semaphore_mem>>
      tpu.wait_indirect_dma semaphore(%dma_wait3A_488 : memref<!tpu.dma_semaphore, #tpu.memory_space<semaphore_mem>>) src(%dma_wait3A_486 : memref<1000000x128xf32, #tpu.memory_space<hbm>>) dst(%dma_wait3A_480 : memref<100x128xf32, #tpu.memory_space<vmem>>)
      %jit3A_489 = arith.constant 4 : i32
      %div3A_490 = arith.divsi %add3A_425, %jit3A_489 : i32
      %sign3A_491 = arith.constant 0 : i32
      %sign3A_492 = arith.cmpi sgt, %add3A_425, %sign3A_491 : i32
      %sign3A_493 = arith.extui %sign3A_492 : i1 to i32
      %sign3A_494 = arith.constant 0 : i32
      %sign3A_495 = arith.cmpi slt, %add3A_425, %sign3A_494 : i32
      %sign3A_496 = arith.extui %sign3A_495 : i1 to i32
      %sign3A_497 = arith.subi %sign3A_493, %sign3A_496 : i32
      %sign3A_498 = arith.constant 0 : i32
      %sign3A_499 = arith.cmpi sgt, %jit3A_489, %sign3A_498 : i32
      %sign3A_500 = arith.extui %sign3A_499 : i1 to i32
      %sign3A_501 = arith.constant 0 : i32
      %sign3A_502 = arith.cmpi slt, %jit3A_489, %sign3A_501 : i32
      %sign3A_503 = arith.extui %sign3A_502 : i1 to i32
      %sign3A_504 = arith.subi %sign3A_500, %sign3A_503 : i32
      %ne3A_505 = arith.cmpi ne, %sign3A_497, %sign3A_504 : i32
      %rem3A_506 = arith.remsi %add3A_425, %jit3A_489 : i32
      %ne3A_507 = arith.constant 0 : i32
      %ne3A_508 = arith.cmpi ne, %rem3A_506, %ne3A_507 : i32
      %and3A_509 = arith.andi %ne3A_505, %ne3A_508 : i1
      %sub3A_510 = arith.constant 1 : i32
      %sub3A_511 = arith.subi %div3A_490, %sub3A_510 : i32
      %select_n3A_512 = arith.select %and3A_509, %sub3A_511, %div3A_490 : i32
      %and3A_513 = arith.constant 1 : i32
      %and3A_514 = arith.andi %select_n3A_512, %and3A_513 : i32
      %mul3A_515 = arith.constant 8 : i32
      %mul3A_516 = arith.muli %and3A_514, %mul3A_515 : i32
      %jit3A_517 = arith.constant 4 : i32
      %eq3A_518 = arith.constant 0 : i32
      %eq3A_519 = arith.cmpi eq, %jit3A_517, %eq3A_518 : i32
      %jit3A_520 = arith.constant 1 : i32
      %select_n3A_521 = arith.select %eq3A_519, %jit3A_520, %jit3A_517 : i32
      %rem3A_522 = arith.remsi %add3A_425, %select_n3A_521 : i32
      %ne3A_523 = arith.constant 0 : i32
      %ne3A_524 = arith.cmpi ne, %rem3A_522, %ne3A_523 : i32
      %lt3A_525 = arith.constant 0 : i32
      %lt3A_526 = arith.cmpi slt, %rem3A_522, %lt3A_525 : i32
      %lt3A_527 = arith.constant 0 : i32
      %lt3A_528 = arith.cmpi slt, %select_n3A_521, %lt3A_527 : i32
      %ne3A_529 = arith.xori %lt3A_526, %lt3A_528 : i1
      %and3A_530 = arith.andi %ne3A_529, %ne3A_524 : i1
      %add3A_531 = arith.addi %rem3A_522, %select_n3A_521 : i32
      %select_n3A_532 = arith.select %and3A_530, %add3A_531, %rem3A_522 : i32
      %mul3A_533 = arith.constant 2 : i32
      %mul3A_534 = arith.muli %select_n3A_532, %mul3A_533 : i32
      %add3A_535 = arith.addi %mul3A_516, %mul3A_534 : i32
      %add3A_536 = arith.constant 1 : i32
      %add3A_537 = arith.addi %add3A_535, %add3A_536 : i32
      %dma_wait3A_538 = arith.constant 0 : i32
      %dma_wait3A_539 = arith.constant 0 : i32
      %dma_wait3A_540 = arith.constant 100 : i32
      %dma_wait3A_541 = arith.constant 0 : i32
      %dma_wait3A_542 = tpu.memref_slice %arg7[%dma_wait3A_538, %dma_wait3A_540, %dma_wait3A_541] : memref<2x200x128xf32, #tpu.memory_space<vmem>> -> memref<1x100x128xf32, #tpu.memory_space<vmem>>
      %dma_wait3A_543 = tpu.memref_squeeze %dma_wait3A_542 : memref<1x100x128xf32, #tpu.memory_space<vmem>> -> memref<100x128xf32, #tpu.memory_space<vmem>>
      %dma_wait3A_544 = arith.constant 0 : i32
      %dma_wait3A_545 = tpu.memref_slice %arg6[%add3A_537, %dma_wait3A_544] : memref<16x100xi32, #tpu.memory_space<vmem>> -> memref<1x100xi32, #tpu.memory_space<vmem>>
      %dma_wait3A_546 = tpu.memref_squeeze %dma_wait3A_545 : memref<1x100xi32, #tpu.memory_space<vmem>> -> memref<100xi32, #tpu.memory_space<vmem>>
      %dma_wait3A_547 = arith.constant 0 : i32
      %dma_wait3A_548 = arith.constant 0 : i32
      %dma_wait3A_549 = tpu.memref_slice %arg3[%dma_wait3A_547, %dma_wait3A_548] : memref<1000000x128xf32, #tpu.memory_space<hbm>> -> memref<1000000x128xf32, #tpu.memory_space<hbm>>
      %dma_wait3A_550 = tpu.memref_slice %arg9[%dma_wait3A_539] : memref<2x!tpu.dma_semaphore, #tpu.memory_space<semaphore_mem>> -> memref<1x!tpu.dma_semaphore, #tpu.memory_space<semaphore_mem>>
      %dma_wait3A_551 = tpu.memref_squeeze %dma_wait3A_550 : memref<1x!tpu.dma_semaphore, #tpu.memory_space<semaphore_mem>> -> memref<!tpu.dma_semaphore, #tpu.memory_space<semaphore_mem>>
      tpu.wait_indirect_dma semaphore(%dma_wait3A_551 : memref<!tpu.dma_semaphore, #tpu.memory_space<semaphore_mem>>) src(%dma_wait3A_549 : memref<1000000x128xf32, #tpu.memory_space<hbm>>) dst(%dma_wait3A_543 : memref<100x128xf32, #tpu.memory_space<vmem>>)
      %ge3A_552 = arith.constant 1 : i32
      %ge3A_553 = arith.cmpi sge, %add3A_425, %ge3A_552 : i32
      %convert_element_type3A_554 = arith.extui %ge3A_553 : i1 to i32
      %cond3A_555 = arith.constant 0 : i32
      %cond3A_556 = arith.cmpi ne, %convert_element_type3A_554, %cond3A_555 : i32
      scf.if %cond3A_556 {
        %sub3A_763 = arith.constant 1 : i32
        %sub3A_764 = arith.subi %add3A_425, %sub3A_763 : i32
        %mul3A_765 = arith.constant 200 : i32
        %mul3A_766 = arith.muli %sub3A_764, %mul3A_765 : i32
        %add3A_767 = arith.addi %mul3A_2, %mul3A_766 : i32
        %multiple_of3A_768 = tpu.assume_multiple %add3A_767, 8 : i32
        %dma_wait3A_769 = arith.constant 1 : i32
        %dma_wait3A_770 = arith.constant 1 : i32
        %dma_wait3A_771 = arith.constant 0 : i32
        %dma_wait3A_772 = arith.constant 0 : i32
        %dma_wait3A_773 = tpu.memref_slice %arg7[%dma_wait3A_769, %dma_wait3A_771, %dma_wait3A_772] : memref<2x200x128xf32, #tpu.memory_space<vmem>> -> memref<1x200x128xf32, #tpu.memory_space<vmem>>
        %dma_wait3A_774 = tpu.memref_squeeze %dma_wait3A_773 : memref<1x200x128xf32, #tpu.memory_space<vmem>> -> memref<200x128xf32, #tpu.memory_space<vmem>>
        %dma_wait3A_775 = arith.constant 0 : i32
        %dma_wait3A_776 = tpu.memref_slice %arg5[%multiple_of3A_768, %dma_wait3A_775] : memref<819200x128xf32, #tpu.memory_space<hbm>> -> memref<200x128xf32, #tpu.memory_space<hbm>>
        %dma_wait3A_777 = tpu.memref_slice %arg10[%dma_wait3A_770] : memref<2x!tpu.dma_semaphore, #tpu.memory_space<semaphore_mem>> -> memref<1x!tpu.dma_semaphore, #tpu.memory_space<semaphore_mem>>
        %dma_wait3A_778 = tpu.memref_squeeze %dma_wait3A_777 : memref<1x!tpu.dma_semaphore, #tpu.memory_space<semaphore_mem>> -> memref<!tpu.dma_semaphore, #tpu.memory_space<semaphore_mem>>
        %dma_wait3A_779 = arith.constant 0 : i32
        %dma_wait3A_780 = tpu.memref_slice %arg5[%multiple_of3A_768, %dma_wait3A_779] : memref<819200x128xf32, #tpu.memory_space<hbm>> -> memref<200x128xf32, #tpu.memory_space<hbm>>
        %dma_wait3A_781 = arith.constant 0 : i32
        %dma_wait3A_782 = arith.constant 0 : i32
        %dma_wait3A_783 = tpu.memref_slice %arg7[%dma_wait3A_769, %dma_wait3A_781, %dma_wait3A_782] : memref<2x200x128xf32, #tpu.memory_space<vmem>> -> memref<1x200x128xf32, #tpu.memory_space<vmem>>
        %dma_wait3A_784 = tpu.memref_squeeze %dma_wait3A_783 : memref<1x200x128xf32, #tpu.memory_space<vmem>> -> memref<200x128xf32, #tpu.memory_space<vmem>>
        tpu.wait_dma2 semaphore(%dma_wait3A_778 : memref<!tpu.dma_semaphore, #tpu.memory_space<semaphore_mem>>) src(%dma_wait3A_784 : memref<200x128xf32, #tpu.memory_space<vmem>>) dst(%dma_wait3A_780 : memref<200x128xf32, #tpu.memory_space<hbm>>)
      } else {
      }
      %add3A_557 = arith.constant 1 : i32
      %add3A_558 = arith.addi %add3A_425, %add3A_557 : i32
      %lt3A_559 = arith.constant 128 : i32
      %lt3A_560 = arith.cmpi slt, %add3A_558, %lt3A_559 : i32
      %convert_element_type3A_561 = arith.extui %lt3A_560 : i1 to i32
      %cond3A_562 = arith.constant 0 : i32
      %cond3A_563 = arith.cmpi ne, %convert_element_type3A_561, %cond3A_562 : i32
      scf.if %cond3A_563 {
        %add3A_763 = arith.constant 1 : i32
        %add3A_764 = arith.addi %add3A_425, %add3A_763 : i32
        %jit3A_765 = arith.constant 4 : i32
        %div3A_766 = arith.divsi %add3A_764, %jit3A_765 : i32
        %sign3A_767 = arith.constant 0 : i32
        %sign3A_768 = arith.cmpi sgt, %add3A_764, %sign3A_767 : i32
        %sign3A_769 = arith.extui %sign3A_768 : i1 to i32
        %sign3A_770 = arith.constant 0 : i32
        %sign3A_771 = arith.cmpi slt, %add3A_764, %sign3A_770 : i32
        %sign3A_772 = arith.extui %sign3A_771 : i1 to i32
        %sign3A_773 = arith.subi %sign3A_769, %sign3A_772 : i32
        %sign3A_774 = arith.constant 0 : i32
        %sign3A_775 = arith.cmpi sgt, %jit3A_765, %sign3A_774 : i32
        %sign3A_776 = arith.extui %sign3A_775 : i1 to i32
        %sign3A_777 = arith.constant 0 : i32
        %sign3A_778 = arith.cmpi slt, %jit3A_765, %sign3A_777 : i32
        %sign3A_779 = arith.extui %sign3A_778 : i1 to i32
        %sign3A_780 = arith.subi %sign3A_776, %sign3A_779 : i32
        %ne3A_781 = arith.cmpi ne, %sign3A_773, %sign3A_780 : i32
        %rem3A_782 = arith.remsi %add3A_764, %jit3A_765 : i32
        %ne3A_783 = arith.constant 0 : i32
        %ne3A_784 = arith.cmpi ne, %rem3A_782, %ne3A_783 : i32
        %and3A_785 = arith.andi %ne3A_781, %ne3A_784 : i1
        %sub3A_786 = arith.constant 1 : i32
        %sub3A_787 = arith.subi %div3A_766, %sub3A_786 : i32
        %select_n3A_788 = arith.select %and3A_785, %sub3A_787, %div3A_766 : i32
        %and3A_789 = arith.constant 1 : i32
        %and3A_790 = arith.andi %select_n3A_788, %and3A_789 : i32
        %mul3A_791 = arith.constant 8 : i32
        %mul3A_792 = arith.muli %and3A_790, %mul3A_791 : i32
        %jit3A_793 = arith.constant 4 : i32
        %eq3A_794 = arith.constant 0 : i32
        %eq3A_795 = arith.cmpi eq, %jit3A_793, %eq3A_794 : i32
        %jit3A_796 = arith.constant 1 : i32
        %select_n3A_797 = arith.select %eq3A_795, %jit3A_796, %jit3A_793 : i32
        %rem3A_798 = arith.remsi %add3A_764, %select_n3A_797 : i32
        %ne3A_799 = arith.constant 0 : i32
        %ne3A_800 = arith.cmpi ne, %rem3A_798, %ne3A_799 : i32
        %lt3A_801 = arith.constant 0 : i32
        %lt3A_802 = arith.cmpi slt, %rem3A_798, %lt3A_801 : i32
        %lt3A_803 = arith.constant 0 : i32
        %lt3A_804 = arith.cmpi slt, %select_n3A_797, %lt3A_803 : i32
        %ne3A_805 = arith.xori %lt3A_802, %lt3A_804 : i1
        %and3A_806 = arith.andi %ne3A_805, %ne3A_800 : i1
        %add3A_807 = arith.addi %rem3A_798, %select_n3A_797 : i32
        %select_n3A_808 = arith.select %and3A_806, %add3A_807, %rem3A_798 : i32
        %mul3A_809 = arith.constant 2 : i32
        %mul3A_810 = arith.muli %select_n3A_808, %mul3A_809 : i32
        %add3A_811 = arith.addi %mul3A_792, %mul3A_810 : i32
        %add3A_812 = arith.constant 0 : i32
        %add3A_813 = arith.addi %add3A_811, %add3A_812 : i32
        %dma_start3A_814 = arith.constant 1 : i32
        %dma_start3A_815 = arith.constant 1 : i32
        %dma_start3A_816 = arith.constant 0 : i32
        %dma_start3A_817 = arith.constant 0 : i32
        %dma_start3A_818 = tpu.memref_slice %arg7[%dma_start3A_814, %dma_start3A_816, %dma_start3A_817] : memref<2x200x128xf32, #tpu.memory_space<vmem>> -> memref<1x100x128xf32, #tpu.memory_space<vmem>>
        %dma_start3A_819 = tpu.memref_squeeze %dma_start3A_818 : memref<1x100x128xf32, #tpu.memory_space<vmem>> -> memref<100x128xf32, #tpu.memory_space<vmem>>
        %dma_start3A_820 = arith.constant 0 : i32
        %dma_start3A_821 = tpu.memref_slice %arg6[%add3A_813, %dma_start3A_820] : memref<16x100xi32, #tpu.memory_space<vmem>> -> memref<1x100xi32, #tpu.memory_space<vmem>>
        %dma_start3A_822 = tpu.memref_squeeze %dma_start3A_821 : memref<1x100xi32, #tpu.memory_space<vmem>> -> memref<100xi32, #tpu.memory_space<vmem>>
        %dma_start3A_823 = arith.constant 0 : i32
        %dma_start3A_824 = arith.constant 0 : i32
        %dma_start3A_825 = tpu.memref_slice %arg3[%dma_start3A_823, %dma_start3A_824] : memref<1000000x128xf32, #tpu.memory_space<hbm>> -> memref<1000000x128xf32, #tpu.memory_space<hbm>>
        %dma_start3A_826 = tpu.memref_slice %arg9[%dma_start3A_815] : memref<2x!tpu.dma_semaphore, #tpu.memory_space<semaphore_mem>> -> memref<1x!tpu.dma_semaphore, #tpu.memory_space<semaphore_mem>>
        %dma_start3A_827 = tpu.memref_squeeze %dma_start3A_826 : memref<1x!tpu.dma_semaphore, #tpu.memory_space<semaphore_mem>> -> memref<!tpu.dma_semaphore, #tpu.memory_space<semaphore_mem>>
        tpu.enqueue_indirect_dma source(%dma_start3A_825 : memref<1000000x128xf32, #tpu.memory_space<hbm>>) target(%dma_start3A_819 : memref<100x128xf32, #tpu.memory_space<vmem>>) offsets(%dma_start3A_822 : memref<100xi32, #tpu.memory_space<vmem>>) semaphore(%dma_start3A_827 : memref<!tpu.dma_semaphore, #tpu.memory_space<semaphore_mem>>)
        %jit3A_828 = arith.constant 4 : i32
        %div3A_829 = arith.divsi %add3A_764, %jit3A_828 : i32
        %sign3A_830 = arith.constant 0 : i32
        %sign3A_831 = arith.cmpi sgt, %add3A_764, %sign3A_830 : i32
        %sign3A_832 = arith.extui %sign3A_831 : i1 to i32
        %sign3A_833 = arith.constant 0 : i32
        %sign3A_834 = arith.cmpi slt, %add3A_764, %sign3A_833 : i32
        %sign3A_835 = arith.extui %sign3A_834 : i1 to i32
        %sign3A_836 = arith.subi %sign3A_832, %sign3A_835 : i32
        %sign3A_837 = arith.constant 0 : i32
        %sign3A_838 = arith.cmpi sgt, %jit3A_828, %sign3A_837 : i32
        %sign3A_839 = arith.extui %sign3A_838 : i1 to i32
        %sign3A_840 = arith.constant 0 : i32
        %sign3A_841 = arith.cmpi slt, %jit3A_828, %sign3A_840 : i32
        %sign3A_842 = arith.extui %sign3A_841 : i1 to i32
        %sign3A_843 = arith.subi %sign3A_839, %sign3A_842 : i32
        %ne3A_844 = arith.cmpi ne, %sign3A_836, %sign3A_843 : i32
        %rem3A_845 = arith.remsi %add3A_764, %jit3A_828 : i32
        %ne3A_846 = arith.constant 0 : i32
        %ne3A_847 = arith.cmpi ne, %rem3A_845, %ne3A_846 : i32
        %and3A_848 = arith.andi %ne3A_844, %ne3A_847 : i1
        %sub3A_849 = arith.constant 1 : i32
        %sub3A_850 = arith.subi %div3A_829, %sub3A_849 : i32
        %select_n3A_851 = arith.select %and3A_848, %sub3A_850, %div3A_829 : i32
        %and3A_852 = arith.constant 1 : i32
        %and3A_853 = arith.andi %select_n3A_851, %and3A_852 : i32
        %mul3A_854 = arith.constant 8 : i32
        %mul3A_855 = arith.muli %and3A_853, %mul3A_854 : i32
        %jit3A_856 = arith.constant 4 : i32
        %eq3A_857 = arith.constant 0 : i32
        %eq3A_858 = arith.cmpi eq, %jit3A_856, %eq3A_857 : i32
        %jit3A_859 = arith.constant 1 : i32
        %select_n3A_860 = arith.select %eq3A_858, %jit3A_859, %jit3A_856 : i32
        %rem3A_861 = arith.remsi %add3A_764, %select_n3A_860 : i32
        %ne3A_862 = arith.constant 0 : i32
        %ne3A_863 = arith.cmpi ne, %rem3A_861, %ne3A_862 : i32
        %lt3A_864 = arith.constant 0 : i32
        %lt3A_865 = arith.cmpi slt, %rem3A_861, %lt3A_864 : i32
        %lt3A_866 = arith.constant 0 : i32
        %lt3A_867 = arith.cmpi slt, %select_n3A_860, %lt3A_866 : i32
        %ne3A_868 = arith.xori %lt3A_865, %lt3A_867 : i1
        %and3A_869 = arith.andi %ne3A_868, %ne3A_863 : i1
        %add3A_870 = arith.addi %rem3A_861, %select_n3A_860 : i32
        %select_n3A_871 = arith.select %and3A_869, %add3A_870, %rem3A_861 : i32
        %mul3A_872 = arith.constant 2 : i32
        %mul3A_873 = arith.muli %select_n3A_871, %mul3A_872 : i32
        %add3A_874 = arith.addi %mul3A_855, %mul3A_873 : i32
        %add3A_875 = arith.constant 1 : i32
        %add3A_876 = arith.addi %add3A_874, %add3A_875 : i32
        %dma_start3A_877 = arith.constant 1 : i32
        %dma_start3A_878 = arith.constant 1 : i32
        %dma_start3A_879 = arith.constant 100 : i32
        %dma_start3A_880 = arith.constant 0 : i32
        %dma_start3A_881 = tpu.memref_slice %arg7[%dma_start3A_877, %dma_start3A_879, %dma_start3A_880] : memref<2x200x128xf32, #tpu.memory_space<vmem>> -> memref<1x100x128xf32, #tpu.memory_space<vmem>>
        %dma_start3A_882 = tpu.memref_squeeze %dma_start3A_881 : memref<1x100x128xf32, #tpu.memory_space<vmem>> -> memref<100x128xf32, #tpu.memory_space<vmem>>
        %dma_start3A_883 = arith.constant 0 : i32
        %dma_start3A_884 = tpu.memref_slice %arg6[%add3A_876, %dma_start3A_883] : memref<16x100xi32, #tpu.memory_space<vmem>> -> memref<1x100xi32, #tpu.memory_space<vmem>>
        %dma_start3A_885 = tpu.memref_squeeze %dma_start3A_884 : memref<1x100xi32, #tpu.memory_space<vmem>> -> memref<100xi32, #tpu.memory_space<vmem>>
        %dma_start3A_886 = arith.constant 0 : i32
        %dma_start3A_887 = arith.constant 0 : i32
        %dma_start3A_888 = tpu.memref_slice %arg3[%dma_start3A_886, %dma_start3A_887] : memref<1000000x128xf32, #tpu.memory_space<hbm>> -> memref<1000000x128xf32, #tpu.memory_space<hbm>>
        %dma_start3A_889 = tpu.memref_slice %arg9[%dma_start3A_878] : memref<2x!tpu.dma_semaphore, #tpu.memory_space<semaphore_mem>> -> memref<1x!tpu.dma_semaphore, #tpu.memory_space<semaphore_mem>>
        %dma_start3A_890 = tpu.memref_squeeze %dma_start3A_889 : memref<1x!tpu.dma_semaphore, #tpu.memory_space<semaphore_mem>> -> memref<!tpu.dma_semaphore, #tpu.memory_space<semaphore_mem>>
        tpu.enqueue_indirect_dma source(%dma_start3A_888 : memref<1000000x128xf32, #tpu.memory_space<hbm>>) target(%dma_start3A_882 : memref<100x128xf32, #tpu.memory_space<vmem>>) offsets(%dma_start3A_885 : memref<100xi32, #tpu.memory_space<vmem>>) semaphore(%dma_start3A_890 : memref<!tpu.dma_semaphore, #tpu.memory_space<semaphore_mem>>)
      } else {
      }
      %scan3A_564 = arith.constant 0 : i32
      %scan3A_565 = arith.constant 200 : i32
      %scan3A_566 = arith.addi %scan3A_564, %scan3A_565 : i32
      %scan3A_567 = arith.constant 1 : i32
      scf.for %scan3A_763 = %scan3A_564 to %scan3A_566 step %scan3A_567  : i32 {
        %get3A = arith.index_cast %scan3A_763 : i32 to index
        %get3A_764 = arith.constant 0 : index
        %get3A_765 = tpu.vector_load %arg8[%get3A, %get3A_764] {strides = array<i32>} : memref<200x64xf32, #tpu.memory_space<vmem>>, vector<1x16xf32>,
        %get3A_766 = vector.shape_cast %get3A_765 : vector<1x16xf32> to vector<16xf32>
        %swap3A = arith.constant 0 : i32
        %swap3A_767 = arith.index_cast %swap3A : i32 to index
        %swap3A_768 = arith.index_cast %scan3A_763 : i32 to index
        %swap3A_769 = arith.constant 0 : index
        %swap3A_770 = tpu.vector_load %arg7[%swap3A_767, %swap3A_768, %swap3A_769] {strides = array<i32>} : memref<2x200x128xf32, #tpu.memory_space<vmem>>, vector<1x1x16xf32>,
        %swap3A_771 = vector.shape_cast %swap3A_770 : vector<1x1x16xf32> to vector<16xf32>
        %swap3A_772 = vector.shape_cast %get3A_766 : vector<16xf32> to vector<1x1x16xf32>
        tpu.vector_store %arg7[%swap3A_767, %swap3A_768, %swap3A_769], %swap3A_772 {add = true, strides = array<i32>} : memref<2x200x128xf32, #tpu.memory_space<vmem>>, vector<1x1x16xf32>,
        %get3A_773 = arith.index_cast %scan3A_763 : i32 to index
        %get3A_774 = arith.constant 16 : index
        %get3A_775 = tpu.vector_load %arg8[%get3A_773, %get3A_774] {strides = array<i32>} : memref<200x64xf32, #tpu.memory_space<vmem>>, vector<1x16xf32>,
        %get3A_776 = vector.shape_cast %get3A_775 : vector<1x16xf32> to vector<16xf32>
        %swap3A_777 = arith.constant 0 : i32
        %swap3A_778 = arith.index_cast %swap3A_777 : i32 to index
        %swap3A_779 = arith.index_cast %scan3A_763 : i32 to index
        %swap3A_780 = arith.constant 16 : index
        %swap3A_781 = tpu.vector_load %arg7[%swap3A_778, %swap3A_779, %swap3A_780] {strides = array<i32>} : memref<2x200x128xf32, #tpu.memory_space<vmem>>, vector<1x1x16xf32>,
        %swap3A_782 = vector.shape_cast %swap3A_781 : vector<1x1x16xf32> to vector<16xf32>
        %swap3A_783 = vector.shape_cast %get3A_776 : vector<16xf32> to vector<1x1x16xf32>
        tpu.vector_store %arg7[%swap3A_778, %swap3A_779, %swap3A_780], %swap3A_783 {add = true, strides = array<i32>} : memref<2x200x128xf32, #tpu.memory_space<vmem>>, vector<1x1x16xf32>,
        %get3A_784 = arith.index_cast %scan3A_763 : i32 to index
        %get3A_785 = arith.constant 32 : index
        %get3A_786 = tpu.vector_load %arg8[%get3A_784, %get3A_785] {strides = array<i32>} : memref<200x64xf32, #tpu.memory_space<vmem>>, vector<1x16xf32>,
        %get3A_787 = vector.shape_cast %get3A_786 : vector<1x16xf32> to vector<16xf32>
        %swap3A_788 = arith.constant 0 : i32
        %swap3A_789 = arith.index_cast %swap3A_788 : i32 to index
        %swap3A_790 = arith.index_cast %scan3A_763 : i32 to index
        %swap3A_791 = arith.constant 32 : index
        %swap3A_792 = tpu.vector_load %arg7[%swap3A_789, %swap3A_790, %swap3A_791] {strides = array<i32>} : memref<2x200x128xf32, #tpu.memory_space<vmem>>, vector<1x1x16xf32>,
        %swap3A_793 = vector.shape_cast %swap3A_792 : vector<1x1x16xf32> to vector<16xf32>
        %swap3A_794 = vector.shape_cast %get3A_787 : vector<16xf32> to vector<1x1x16xf32>
        tpu.vector_store %arg7[%swap3A_789, %swap3A_790, %swap3A_791], %swap3A_794 {add = true, strides = array<i32>} : memref<2x200x128xf32, #tpu.memory_space<vmem>>, vector<1x1x16xf32>,
        %get3A_795 = arith.index_cast %scan3A_763 : i32 to index
        %get3A_796 = arith.constant 48 : index
        %get3A_797 = tpu.vector_load %arg8[%get3A_795, %get3A_796] {strides = array<i32>} : memref<200x64xf32, #tpu.memory_space<vmem>>, vector<1x16xf32>,
        %get3A_798 = vector.shape_cast %get3A_797 : vector<1x16xf32> to vector<16xf32>
        %swap3A_799 = arith.constant 0 : i32
        %swap3A_800 = arith.index_cast %swap3A_799 : i32 to index
        %swap3A_801 = arith.index_cast %scan3A_763 : i32 to index
        %swap3A_802 = arith.constant 48 : index
        %swap3A_803 = tpu.vector_load %arg7[%swap3A_800, %swap3A_801, %swap3A_802] {strides = array<i32>} : memref<2x200x128xf32, #tpu.memory_space<vmem>>, vector<1x1x16xf32>,
        %swap3A_804 = vector.shape_cast %swap3A_803 : vector<1x1x16xf32> to vector<16xf32>
        %swap3A_805 = vector.shape_cast %get3A_798 : vector<16xf32> to vector<1x1x16xf32>
        tpu.vector_store %arg7[%swap3A_800, %swap3A_801, %swap3A_802], %swap3A_805 {add = true, strides = array<i32>} : memref<2x200x128xf32, #tpu.memory_space<vmem>>, vector<1x1x16xf32>,
      }
      %scan3A_568 = arith.constant 200 : i32
      %mul3A_569 = arith.constant 200 : i32
      %mul3A_570 = arith.muli %add3A_425, %mul3A_569 : i32
      %add3A_571 = arith.addi %mul3A_2, %mul3A_570 : i32
      %multiple_of3A_572 = tpu.assume_multiple %add3A_571, 8 : i32
      %dma_start3A_573 = arith.constant 0 : i32
      %dma_start3A_574 = arith.constant 0 : i32
      %dma_start3A_575 = arith.constant 0 : i32
      %dma_start3A_576 = arith.constant 0 : i32
      %dma_start3A_577 = tpu.memref_slice %arg7[%dma_start3A_573, %dma_start3A_575, %dma_start3A_576] : memref<2x200x128xf32, #tpu.memory_space<vmem>> -> memref<1x200x128xf32, #tpu.memory_space<vmem>>
      %dma_start3A_578 = tpu.memref_squeeze %dma_start3A_577 : memref<1x200x128xf32, #tpu.memory_space<vmem>> -> memref<200x128xf32, #tpu.memory_space<vmem>>
      %dma_start3A_579 = arith.constant 0 : i32
      %dma_start3A_580 = tpu.memref_slice %arg5[%multiple_of3A_572, %dma_start3A_579] : memref<819200x128xf32, #tpu.memory_space<hbm>> -> memref<200x128xf32, #tpu.memory_space<hbm>>
      %dma_start3A_581 = tpu.memref_slice %arg10[%dma_start3A_574] : memref<2x!tpu.dma_semaphore, #tpu.memory_space<semaphore_mem>> -> memref<1x!tpu.dma_semaphore, #tpu.memory_space<semaphore_mem>>
      %dma_start3A_582 = tpu.memref_squeeze %dma_start3A_581 : memref<1x!tpu.dma_semaphore, #tpu.memory_space<semaphore_mem>> -> memref<!tpu.dma_semaphore, #tpu.memory_space<semaphore_mem>>
      %dma_start3A_583 = arith.constant 0 : i32
      %dma_start3A_584 = tpu.memref_slice %arg5[%multiple_of3A_572, %dma_start3A_583] : memref<819200x128xf32, #tpu.memory_space<hbm>> -> memref<200x128xf32, #tpu.memory_space<hbm>>
      %dma_start3A_585 = arith.constant 0 : i32
      %dma_start3A_586 = arith.constant 0 : i32
      %dma_start3A_587 = tpu.memref_slice %arg7[%dma_start3A_573, %dma_start3A_585, %dma_start3A_586] : memref<2x200x128xf32, #tpu.memory_space<vmem>> -> memref<1x200x128xf32, #tpu.memory_space<vmem>>
      %dma_start3A_588 = tpu.memref_squeeze %dma_start3A_587 : memref<1x200x128xf32, #tpu.memory_space<vmem>> -> memref<200x128xf32, #tpu.memory_space<vmem>>
      tpu.enqueue_dma source(%dma_start3A_588 : memref<200x128xf32, #tpu.memory_space<vmem>>) target(%dma_start3A_584 : memref<200x128xf32, #tpu.memory_space<hbm>>) target_semaphore(%dma_start3A_582 : memref<!tpu.dma_semaphore, #tpu.memory_space<semaphore_mem>>)
      %mul3A_589 = arith.constant 4 : i32
      %mul3A_590 = arith.muli %mul3A_589, %scan3A_100 : i32
      %add3A_591 = arith.constant 3 : i32
      %add3A_592 = arith.addi %mul3A_590, %add3A_591 : i32
      %jit3A_593 = arith.constant 4 : i32
      %div3A_594 = arith.divsi %add3A_592, %jit3A_593 : i32
      %sign3A_595 = arith.constant 0 : i32
      %sign3A_596 = arith.cmpi sgt, %add3A_592, %sign3A_595 : i32
      %sign3A_597 = arith.extui %sign3A_596 : i1 to i32
      %sign3A_598 = arith.constant 0 : i32
      %sign3A_599 = arith.cmpi slt, %add3A_592, %sign3A_598 : i32
      %sign3A_600 = arith.extui %sign3A_599 : i1 to i32
      %sign3A_601 = arith.subi %sign3A_597, %sign3A_600 : i32
      %sign3A_602 = arith.constant 0 : i32
      %sign3A_603 = arith.cmpi sgt, %jit3A_593, %sign3A_602 : i32
      %sign3A_604 = arith.extui %sign3A_603 : i1 to i32
      %sign3A_605 = arith.constant 0 : i32
      %sign3A_606 = arith.cmpi slt, %jit3A_593, %sign3A_605 : i32
      %sign3A_607 = arith.extui %sign3A_606 : i1 to i32
      %sign3A_608 = arith.subi %sign3A_604, %sign3A_607 : i32
      %ne3A_609 = arith.cmpi ne, %sign3A_601, %sign3A_608 : i32
      %rem3A_610 = arith.remsi %add3A_592, %jit3A_593 : i32
      %ne3A_611 = arith.constant 0 : i32
      %ne3A_612 = arith.cmpi ne, %rem3A_610, %ne3A_611 : i32
      %and3A_613 = arith.andi %ne3A_609, %ne3A_612 : i1
      %sub3A_614 = arith.constant 1 : i32
      %sub3A_615 = arith.subi %div3A_594, %sub3A_614 : i32
      %select_n3A_616 = arith.select %and3A_613, %sub3A_615, %div3A_594 : i32
      %and3A_617 = arith.constant 1 : i32
      %and3A_618 = arith.andi %select_n3A_616, %and3A_617 : i32
      %mul3A_619 = arith.constant 8 : i32
      %mul3A_620 = arith.muli %and3A_618, %mul3A_619 : i32
      %jit3A_621 = arith.constant 4 : i32
      %eq3A_622 = arith.constant 0 : i32
      %eq3A_623 = arith.cmpi eq, %jit3A_621, %eq3A_622 : i32
      %jit3A_624 = arith.constant 1 : i32
      %select_n3A_625 = arith.select %eq3A_623, %jit3A_624, %jit3A_621 : i32
      %rem3A_626 = arith.remsi %add3A_592, %select_n3A_625 : i32
      %ne3A_627 = arith.constant 0 : i32
      %ne3A_628 = arith.cmpi ne, %rem3A_626, %ne3A_627 : i32
      %lt3A_629 = arith.constant 0 : i32
      %lt3A_630 = arith.cmpi slt, %rem3A_626, %lt3A_629 : i32
      %lt3A_631 = arith.constant 0 : i32
      %lt3A_632 = arith.cmpi slt, %select_n3A_625, %lt3A_631 : i32
      %ne3A_633 = arith.xori %lt3A_630, %lt3A_632 : i1
      %and3A_634 = arith.andi %ne3A_633, %ne3A_628 : i1
      %add3A_635 = arith.addi %rem3A_626, %select_n3A_625 : i32
      %select_n3A_636 = arith.select %and3A_634, %add3A_635, %rem3A_626 : i32
      %mul3A_637 = arith.constant 2 : i32
      %mul3A_638 = arith.muli %select_n3A_636, %mul3A_637 : i32
      %add3A_639 = arith.addi %mul3A_620, %mul3A_638 : i32
      %add3A_640 = arith.constant 0 : i32
      %add3A_641 = arith.addi %add3A_639, %add3A_640 : i32
      %dma_wait3A_642 = arith.constant 1 : i32
      %dma_wait3A_643 = arith.constant 1 : i32
      %dma_wait3A_644 = arith.constant 0 : i32
      %dma_wait3A_645 = arith.constant 0 : i32
      %dma_wait3A_646 = tpu.memref_slice %arg7[%dma_wait3A_642, %dma_wait3A_644, %dma_wait3A_645] : memref<2x200x128xf32, #tpu.memory_space<vmem>> -> memref<1x100x128xf32, #tpu.memory_space<vmem>>
      %dma_wait3A_647 = tpu.memref_squeeze %dma_wait3A_646 : memref<1x100x128xf32, #tpu.memory_space<vmem>> -> memref<100x128xf32, #tpu.memory_space<vmem>>
      %dma_wait3A_648 = arith.constant 0 : i32
      %dma_wait3A_649 = tpu.memref_slice %arg6[%add3A_641, %dma_wait3A_648] : memref<16x100xi32, #tpu.memory_space<vmem>> -> memref<1x100xi32, #tpu.memory_space<vmem>>
      %dma_wait3A_650 = tpu.memref_squeeze %dma_wait3A_649 : memref<1x100xi32, #tpu.memory_space<vmem>> -> memref<100xi32, #tpu.memory_space<vmem>>
      %dma_wait3A_651 = arith.constant 0 : i32
      %dma_wait3A_652 = arith.constant 0 : i32
      %dma_wait3A_653 = tpu.memref_slice %arg3[%dma_wait3A_651, %dma_wait3A_652] : memref<1000000x128xf32, #tpu.memory_space<hbm>> -> memref<1000000x128xf32, #tpu.memory_space<hbm>>
      %dma_wait3A_654 = tpu.memref_slice %arg9[%dma_wait3A_643] : memref<2x!tpu.dma_semaphore, #tpu.memory_space<semaphore_mem>> -> memref<1x!tpu.dma_semaphore, #tpu.memory_space<semaphore_mem>>
      %dma_wait3A_655 = tpu.memref_squeeze %dma_wait3A_654 : memref<1x!tpu.dma_semaphore, #tpu.memory_space<semaphore_mem>> -> memref<!tpu.dma_semaphore, #tpu.memory_space<semaphore_mem>>
      tpu.wait_indirect_dma semaphore(%dma_wait3A_655 : memref<!tpu.dma_semaphore, #tpu.memory_space<semaphore_mem>>) src(%dma_wait3A_653 : memref<1000000x128xf32, #tpu.memory_space<hbm>>) dst(%dma_wait3A_647 : memref<100x128xf32, #tpu.memory_space<vmem>>)
      %jit3A_656 = arith.constant 4 : i32
      %div3A_657 = arith.divsi %add3A_592, %jit3A_656 : i32
      %sign3A_658 = arith.constant 0 : i32
      %sign3A_659 = arith.cmpi sgt, %add3A_592, %sign3A_658 : i32
      %sign3A_660 = arith.extui %sign3A_659 : i1 to i32
      %sign3A_661 = arith.constant 0 : i32
      %sign3A_662 = arith.cmpi slt, %add3A_592, %sign3A_661 : i32
      %sign3A_663 = arith.extui %sign3A_662 : i1 to i32
      %sign3A_664 = arith.subi %sign3A_660, %sign3A_663 : i32
      %sign3A_665 = arith.constant 0 : i32
      %sign3A_666 = arith.cmpi sgt, %jit3A_656, %sign3A_665 : i32
      %sign3A_667 = arith.extui %sign3A_666 : i1 to i32
      %sign3A_668 = arith.constant 0 : i32
      %sign3A_669 = arith.cmpi slt, %jit3A_656, %sign3A_668 : i32
      %sign3A_670 = arith.extui %sign3A_669 : i1 to i32
      %sign3A_671 = arith.subi %sign3A_667, %sign3A_670 : i32
      %ne3A_672 = arith.cmpi ne, %sign3A_664, %sign3A_671 : i32
      %rem3A_673 = arith.remsi %add3A_592, %jit3A_656 : i32
      %ne3A_674 = arith.constant 0 : i32
      %ne3A_675 = arith.cmpi ne, %rem3A_673, %ne3A_674 : i32
      %and3A_676 = arith.andi %ne3A_672, %ne3A_675 : i1
      %sub3A_677 = arith.constant 1 : i32
      %sub3A_678 = arith.subi %div3A_657, %sub3A_677 : i32
      %select_n3A_679 = arith.select %and3A_676, %sub3A_678, %div3A_657 : i32
      %and3A_680 = arith.constant 1 : i32
      %and3A_681 = arith.andi %select_n3A_679, %and3A_680 : i32
      %mul3A_682 = arith.constant 8 : i32
      %mul3A_683 = arith.muli %and3A_681, %mul3A_682 : i32
      %jit3A_684 = arith.constant 4 : i32
      %eq3A_685 = arith.constant 0 : i32
      %eq3A_686 = arith.cmpi eq, %jit3A_684, %eq3A_685 : i32
      %jit3A_687 = arith.constant 1 : i32
      %select_n3A_688 = arith.select %eq3A_686, %jit3A_687, %jit3A_684 : i32
      %rem3A_689 = arith.remsi %add3A_592, %select_n3A_688 : i32
      %ne3A_690 = arith.constant 0 : i32
      %ne3A_691 = arith.cmpi ne, %rem3A_689, %ne3A_690 : i32
      %lt3A_692 = arith.constant 0 : i32
      %lt3A_693 = arith.cmpi slt, %rem3A_689, %lt3A_692 : i32
      %lt3A_694 = arith.constant 0 : i32
      %lt3A_695 = arith.cmpi slt, %select_n3A_688, %lt3A_694 : i32
      %ne3A_696 = arith.xori %lt3A_693, %lt3A_695 : i1
      %and3A_697 = arith.andi %ne3A_696, %ne3A_691 : i1
      %add3A_698 = arith.addi %rem3A_689, %select_n3A_688 : i32
      %select_n3A_699 = arith.select %and3A_697, %add3A_698, %rem3A_689 : i32
      %mul3A_700 = arith.constant 2 : i32
      %mul3A_701 = arith.muli %select_n3A_699, %mul3A_700 : i32
      %add3A_702 = arith.addi %mul3A_683, %mul3A_701 : i32
      %add3A_703 = arith.constant 1 : i32
      %add3A_704 = arith.addi %add3A_702, %add3A_703 : i32
      %dma_wait3A_705 = arith.constant 1 : i32
      %dma_wait3A_706 = arith.constant 1 : i32
      %dma_wait3A_707 = arith.constant 100 : i32
      %dma_wait3A_708 = arith.constant 0 : i32
      %dma_wait3A_709 = tpu.memref_slice %arg7[%dma_wait3A_705, %dma_wait3A_707, %dma_wait3A_708] : memref<2x200x128xf32, #tpu.memory_space<vmem>> -> memref<1x100x128xf32, #tpu.memory_space<vmem>>
      %dma_wait3A_710 = tpu.memref_squeeze %dma_wait3A_709 : memref<1x100x128xf32, #tpu.memory_space<vmem>> -> memref<100x128xf32, #tpu.memory_space<vmem>>
      %dma_wait3A_711 = arith.constant 0 : i32
      %dma_wait3A_712 = tpu.memref_slice %arg6[%add3A_704, %dma_wait3A_711] : memref<16x100xi32, #tpu.memory_space<vmem>> -> memref<1x100xi32, #tpu.memory_space<vmem>>
      %dma_wait3A_713 = tpu.memref_squeeze %dma_wait3A_712 : memref<1x100xi32, #tpu.memory_space<vmem>> -> memref<100xi32, #tpu.memory_space<vmem>>
      %dma_wait3A_714 = arith.constant 0 : i32
      %dma_wait3A_715 = arith.constant 0 : i32
      %dma_wait3A_716 = tpu.memref_slice %arg3[%dma_wait3A_714, %dma_wait3A_715] : memref<1000000x128xf32, #tpu.memory_space<hbm>> -> memref<1000000x128xf32, #tpu.memory_space<hbm>>
      %dma_wait3A_717 = tpu.memref_slice %arg9[%dma_wait3A_706] : memref<2x!tpu.dma_semaphore, #tpu.memory_space<semaphore_mem>> -> memref<1x!tpu.dma_semaphore, #tpu.memory_space<semaphore_mem>>
      %dma_wait3A_718 = tpu.memref_squeeze %dma_wait3A_717 : memref<1x!tpu.dma_semaphore, #tpu.memory_space<semaphore_mem>> -> memref<!tpu.dma_semaphore, #tpu.memory_space<semaphore_mem>>
      tpu.wait_indirect_dma semaphore(%dma_wait3A_718 : memref<!tpu.dma_semaphore, #tpu.memory_space<semaphore_mem>>) src(%dma_wait3A_716 : memref<1000000x128xf32, #tpu.memory_space<hbm>>) dst(%dma_wait3A_710 : memref<100x128xf32, #tpu.memory_space<vmem>>)
      %add3A_719 = arith.constant 2 : i32
      %add3A_720 = arith.addi %scan3A_100, %add3A_719 : i32
      %lt3A_721 = arith.constant 32 : i32
      %lt3A_722 = arith.cmpi slt, %add3A_720, %lt3A_721 : i32
      %convert_element_type3A_723 = arith.extui %lt3A_722 : i1 to i32
      %cond3A_724 = arith.constant 0 : i32
      %cond3A_725 = arith.cmpi ne, %convert_element_type3A_723, %cond3A_724 : i32
      scf.if %cond3A_725 {
        %add3A_763 = arith.constant 2 : i32
        %add3A_764 = arith.addi %scan3A_100, %add3A_763 : i32
        %and3A_765 = arith.constant 1 : i32
        %and3A_766 = arith.andi %add3A_764, %and3A_765 : i32
        %mul3A_767 = arith.constant 8 : i32
        %mul3A_768 = arith.muli %add3A_764, %mul3A_767 : i32
        %add3A_769 = arith.addi %mul3A_4, %mul3A_768 : i32
        %multiple_of3A_770 = tpu.assume_multiple %add3A_769, 8 : i32
        %mul3A_771 = arith.constant 8 : i32
        %mul3A_772 = arith.muli %and3A_766, %mul3A_771 : i32
        %dma_start3A_773 = arith.constant 0 : i32
        %dma_start3A_774 = tpu.memref_slice %arg6[%mul3A_772, %dma_start3A_773] : memref<16x100xi32, #tpu.memory_space<vmem>> -> memref<8x100xi32, #tpu.memory_space<vmem>>
        %dma_start3A_775 = arith.constant 0 : i32
        %dma_start3A_776 = tpu.memref_slice %arg2[%multiple_of3A_770, %dma_start3A_775] : memref<8192x100xi32, #tpu.memory_space<hbm>> -> memref<8x100xi32, #tpu.memory_space<hbm>>
        %dma_start3A_777 = tpu.memref_slice %arg11[%and3A_766] : memref<2x!tpu.dma_semaphore, #tpu.memory_space<semaphore_mem>> -> memref<1x!tpu.dma_semaphore, #tpu.memory_space<semaphore_mem>>
        %dma_start3A_778 = tpu.memref_squeeze %dma_start3A_777 : memref<1x!tpu.dma_semaphore, #tpu.memory_space<semaphore_mem>> -> memref<!tpu.dma_semaphore, #tpu.memory_space<semaphore_mem>>
        %dma_start3A_779 = arith.constant 0 : i32
        %dma_start3A_780 = tpu.memref_slice %arg6[%mul3A_772, %dma_start3A_779] : memref<16x100xi32, #tpu.memory_space<vmem>> -> memref<8x100xi32, #tpu.memory_space<vmem>>
        %dma_start3A_781 = arith.constant 0 : i32
        %dma_start3A_782 = tpu.memref_slice %arg2[%multiple_of3A_770, %dma_start3A_781] : memref<8192x100xi32, #tpu.memory_space<hbm>> -> memref<8x100xi32, #tpu.memory_space<hbm>>
        tpu.enqueue_dma source(%dma_start3A_782 : memref<8x100xi32, #tpu.memory_space<hbm>>) target(%dma_start3A_780 : memref<8x100xi32, #tpu.memory_space<vmem>>) target_semaphore(%dma_start3A_778 : memref<!tpu.dma_semaphore, #tpu.memory_space<semaphore_mem>>)
      } else {
      }
      %ge3A_726 = arith.constant 1 : i32
      %ge3A_727 = arith.cmpi sge, %add3A_592, %ge3A_726 : i32
      %convert_element_type3A_728 = arith.extui %ge3A_727 : i1 to i32
      %cond3A_729 = arith.constant 0 : i32
      %cond3A_730 = arith.cmpi ne, %convert_element_type3A_728, %cond3A_729 : i32
      scf.if %cond3A_730 {
        %sub3A_763 = arith.constant 1 : i32
        %sub3A_764 = arith.subi %add3A_592, %sub3A_763 : i32
        %mul3A_765 = arith.constant 200 : i32
        %mul3A_766 = arith.muli %sub3A_764, %mul3A_765 : i32
        %add3A_767 = arith.addi %mul3A_2, %mul3A_766 : i32
        %multiple_of3A_768 = tpu.assume_multiple %add3A_767, 8 : i32
        %dma_wait3A_769 = arith.constant 0 : i32
        %dma_wait3A_770 = arith.constant 0 : i32
        %dma_wait3A_771 = arith.constant 0 : i32
        %dma_wait3A_772 = arith.constant 0 : i32
        %dma_wait3A_773 = tpu.memref_slice %arg7[%dma_wait3A_769, %dma_wait3A_771, %dma_wait3A_772] : memref<2x200x128xf32, #tpu.memory_space<vmem>> -> memref<1x200x128xf32, #tpu.memory_space<vmem>>
        %dma_wait3A_774 = tpu.memref_squeeze %dma_wait3A_773 : memref<1x200x128xf32, #tpu.memory_space<vmem>> -> memref<200x128xf32, #tpu.memory_space<vmem>>
        %dma_wait3A_775 = arith.constant 0 : i32
        %dma_wait3A_776 = tpu.memref_slice %arg5[%multiple_of3A_768, %dma_wait3A_775] : memref<819200x128xf32, #tpu.memory_space<hbm>> -> memref<200x128xf32, #tpu.memory_space<hbm>>
        %dma_wait3A_777 = tpu.memref_slice %arg10[%dma_wait3A_770] : memref<2x!tpu.dma_semaphore, #tpu.memory_space<semaphore_mem>> -> memref<1x!tpu.dma_semaphore, #tpu.memory_space<semaphore_mem>>
        %dma_wait3A_778 = tpu.memref_squeeze %dma_wait3A_777 : memref<1x!tpu.dma_semaphore, #tpu.memory_space<semaphore_mem>> -> memref<!tpu.dma_semaphore, #tpu.memory_space<semaphore_mem>>
        %dma_wait3A_779 = arith.constant 0 : i32
        %dma_wait3A_780 = tpu.memref_slice %arg5[%multiple_of3A_768, %dma_wait3A_779] : memref<819200x128xf32, #tpu.memory_space<hbm>> -> memref<200x128xf32, #tpu.memory_space<hbm>>
        %dma_wait3A_781 = arith.constant 0 : i32
        %dma_wait3A_782 = arith.constant 0 : i32
        %dma_wait3A_783 = tpu.memref_slice %arg7[%dma_wait3A_769, %dma_wait3A_781, %dma_wait3A_782] : memref<2x200x128xf32, #tpu.memory_space<vmem>> -> memref<1x200x128xf32, #tpu.memory_space<vmem>>
        %dma_wait3A_784 = tpu.memref_squeeze %dma_wait3A_783 : memref<1x200x128xf32, #tpu.memory_space<vmem>> -> memref<200x128xf32, #tpu.memory_space<vmem>>
        tpu.wait_dma2 semaphore(%dma_wait3A_778 : memref<!tpu.dma_semaphore, #tpu.memory_space<semaphore_mem>>) src(%dma_wait3A_784 : memref<200x128xf32, #tpu.memory_space<vmem>>) dst(%dma_wait3A_780 : memref<200x128xf32, #tpu.memory_space<hbm>>)
      } else {
      }
      %add3A_731 = arith.constant 1 : i32
      %add3A_732 = arith.addi %add3A_592, %add3A_731 : i32
      %lt3A_733 = arith.constant 128 : i32
      %lt3A_734 = arith.cmpi slt, %add3A_732, %lt3A_733 : i32
      %convert_element_type3A_735 = arith.extui %lt3A_734 : i1 to i32
      %cond3A_736 = arith.constant 0 : i32
      %cond3A_737 = arith.cmpi ne, %convert_element_type3A_735, %cond3A_736 : i32
      scf.if %cond3A_737 {
        %add3A_763 = arith.constant 1 : i32
        %add3A_764 = arith.addi %scan3A_100, %add3A_763 : i32
        %and3A_765 = arith.constant 1 : i32
        %and3A_766 = arith.andi %add3A_764, %and3A_765 : i32
        %mul3A_767 = arith.constant 8 : i32
        %mul3A_768 = arith.muli %add3A_764, %mul3A_767 : i32
        %add3A_769 = arith.addi %mul3A_4, %mul3A_768 : i32
        %multiple_of3A_770 = tpu.assume_multiple %add3A_769, 8 : i32
        %mul3A_771 = arith.constant 8 : i32
        %mul3A_772 = arith.muli %and3A_766, %mul3A_771 : i32
        %dma_wait3A_773 = arith.constant 0 : i32
        %dma_wait3A_774 = tpu.memref_slice %arg6[%mul3A_772, %dma_wait3A_773] : memref<16x100xi32, #tpu.memory_space<vmem>> -> memref<8x100xi32, #tpu.memory_space<vmem>>
        %dma_wait3A_775 = arith.constant 0 : i32
        %dma_wait3A_776 = tpu.memref_slice %arg2[%multiple_of3A_770, %dma_wait3A_775] : memref<8192x100xi32, #tpu.memory_space<hbm>> -> memref<8x100xi32, #tpu.memory_space<hbm>>
        %dma_wait3A_777 = tpu.memref_slice %arg11[%and3A_766] : memref<2x!tpu.dma_semaphore, #tpu.memory_space<semaphore_mem>> -> memref<1x!tpu.dma_semaphore, #tpu.memory_space<semaphore_mem>>
        %dma_wait3A_778 = tpu.memref_squeeze %dma_wait3A_777 : memref<1x!tpu.dma_semaphore, #tpu.memory_space<semaphore_mem>> -> memref<!tpu.dma_semaphore, #tpu.memory_space<semaphore_mem>>
        %dma_wait3A_779 = arith.constant 0 : i32
        %dma_wait3A_780 = tpu.memref_slice %arg6[%mul3A_772, %dma_wait3A_779] : memref<16x100xi32, #tpu.memory_space<vmem>> -> memref<8x100xi32, #tpu.memory_space<vmem>>
        %dma_wait3A_781 = arith.constant 0 : i32
        %dma_wait3A_782 = tpu.memref_slice %arg2[%multiple_of3A_770, %dma_wait3A_781] : memref<8192x100xi32, #tpu.memory_space<hbm>> -> memref<8x100xi32, #tpu.memory_space<hbm>>
        tpu.wait_dma2 semaphore(%dma_wait3A_778 : memref<!tpu.dma_semaphore, #tpu.memory_space<semaphore_mem>>) src(%dma_wait3A_782 : memref<8x100xi32, #tpu.memory_space<hbm>>) dst(%dma_wait3A_780 : memref<8x100xi32, #tpu.memory_space<vmem>>)
        %add3A_783 = arith.constant 1 : i32
        %add3A_784 = arith.addi %add3A_592, %add3A_783 : i32
        %jit3A_785 = arith.constant 4 : i32
        %div3A_786 = arith.divsi %add3A_784, %jit3A_785 : i32
        %sign3A_787 = arith.constant 0 : i32
        %sign3A_788 = arith.cmpi sgt, %add3A_784, %sign3A_787 : i32
        %sign3A_789 = arith.extui %sign3A_788 : i1 to i32
        %sign3A_790 = arith.constant 0 : i32
        %sign3A_791 = arith.cmpi slt, %add3A_784, %sign3A_790 : i32
        %sign3A_792 = arith.extui %sign3A_791 : i1 to i32
        %sign3A_793 = arith.subi %sign3A_789, %sign3A_792 : i32
        %sign3A_794 = arith.constant 0 : i32
        %sign3A_795 = arith.cmpi sgt, %jit3A_785, %sign3A_794 : i32
        %sign3A_796 = arith.extui %sign3A_795 : i1 to i32
        %sign3A_797 = arith.constant 0 : i32
        %sign3A_798 = arith.cmpi slt, %jit3A_785, %sign3A_797 : i32
        %sign3A_799 = arith.extui %sign3A_798 : i1 to i32
        %sign3A_800 = arith.subi %sign3A_796, %sign3A_799 : i32
        %ne3A_801 = arith.cmpi ne, %sign3A_793, %sign3A_800 : i32
        %rem3A_802 = arith.remsi %add3A_784, %jit3A_785 : i32
        %ne3A_803 = arith.constant 0 : i32
        %ne3A_804 = arith.cmpi ne, %rem3A_802, %ne3A_803 : i32
        %and3A_805 = arith.andi %ne3A_801, %ne3A_804 : i1
        %sub3A_806 = arith.constant 1 : i32
        %sub3A_807 = arith.subi %div3A_786, %sub3A_806 : i32
        %select_n3A_808 = arith.select %and3A_805, %sub3A_807, %div3A_786 : i32
        %and3A_809 = arith.constant 1 : i32
        %and3A_810 = arith.andi %select_n3A_808, %and3A_809 : i32
        %mul3A_811 = arith.constant 8 : i32
        %mul3A_812 = arith.muli %and3A_810, %mul3A_811 : i32
        %jit3A_813 = arith.constant 4 : i32
        %eq3A_814 = arith.constant 0 : i32
        %eq3A_815 = arith.cmpi eq, %jit3A_813, %eq3A_814 : i32
        %jit3A_816 = arith.constant 1 : i32
        %select_n3A_817 = arith.select %eq3A_815, %jit3A_816, %jit3A_813 : i32
        %rem3A_818 = arith.remsi %add3A_784, %select_n3A_817 : i32
        %ne3A_819 = arith.constant 0 : i32
        %ne3A_820 = arith.cmpi ne, %rem3A_818, %ne3A_819 : i32
        %lt3A_821 = arith.constant 0 : i32
        %lt3A_822 = arith.cmpi slt, %rem3A_818, %lt3A_821 : i32
        %lt3A_823 = arith.constant 0 : i32
        %lt3A_824 = arith.cmpi slt, %select_n3A_817, %lt3A_823 : i32
        %ne3A_825 = arith.xori %lt3A_822, %lt3A_824 : i1
        %and3A_826 = arith.andi %ne3A_825, %ne3A_820 : i1
        %add3A_827 = arith.addi %rem3A_818, %select_n3A_817 : i32
        %select_n3A_828 = arith.select %and3A_826, %add3A_827, %rem3A_818 : i32
        %mul3A_829 = arith.constant 2 : i32
        %mul3A_830 = arith.muli %select_n3A_828, %mul3A_829 : i32
        %add3A_831 = arith.addi %mul3A_812, %mul3A_830 : i32
        %add3A_832 = arith.constant 0 : i32
        %add3A_833 = arith.addi %add3A_831, %add3A_832 : i32
        %dma_start3A_834 = arith.constant 0 : i32
        %dma_start3A_835 = arith.constant 0 : i32
        %dma_start3A_836 = arith.constant 0 : i32
        %dma_start3A_837 = arith.constant 0 : i32
        %dma_start3A_838 = tpu.memref_slice %arg7[%dma_start3A_834, %dma_start3A_836, %dma_start3A_837] : memref<2x200x128xf32, #tpu.memory_space<vmem>> -> memref<1x100x128xf32, #tpu.memory_space<vmem>>
        %dma_start3A_839 = tpu.memref_squeeze %dma_start3A_838 : memref<1x100x128xf32, #tpu.memory_space<vmem>> -> memref<100x128xf32, #tpu.memory_space<vmem>>
        %dma_start3A_840 = arith.constant 0 : i32
        %dma_start3A_841 = tpu.memref_slice %arg6[%add3A_833, %dma_start3A_840] : memref<16x100xi32, #tpu.memory_space<vmem>> -> memref<1x100xi32, #tpu.memory_space<vmem>>
        %dma_start3A_842 = tpu.memref_squeeze %dma_start3A_841 : memref<1x100xi32, #tpu.memory_space<vmem>> -> memref<100xi32, #tpu.memory_space<vmem>>
        %dma_start3A_843 = arith.constant 0 : i32
        %dma_start3A_844 = arith.constant 0 : i32
        %dma_start3A_845 = tpu.memref_slice %arg3[%dma_start3A_843, %dma_start3A_844] : memref<1000000x128xf32, #tpu.memory_space<hbm>> -> memref<1000000x128xf32, #tpu.memory_space<hbm>>
        %dma_start3A_846 = tpu.memref_slice %arg9[%dma_start3A_835] : memref<2x!tpu.dma_semaphore, #tpu.memory_space<semaphore_mem>> -> memref<1x!tpu.dma_semaphore, #tpu.memory_space<semaphore_mem>>
        %dma_start3A_847 = tpu.memref_squeeze %dma_start3A_846 : memref<1x!tpu.dma_semaphore, #tpu.memory_space<semaphore_mem>> -> memref<!tpu.dma_semaphore, #tpu.memory_space<semaphore_mem>>
        tpu.enqueue_indirect_dma source(%dma_start3A_845 : memref<1000000x128xf32, #tpu.memory_space<hbm>>) target(%dma_start3A_839 : memref<100x128xf32, #tpu.memory_space<vmem>>) offsets(%dma_start3A_842 : memref<100xi32, #tpu.memory_space<vmem>>) semaphore(%dma_start3A_847 : memref<!tpu.dma_semaphore, #tpu.memory_space<semaphore_mem>>)
        %jit3A_848 = arith.constant 4 : i32
        %div3A_849 = arith.divsi %add3A_784, %jit3A_848 : i32
        %sign3A_850 = arith.constant 0 : i32
        %sign3A_851 = arith.cmpi sgt, %add3A_784, %sign3A_850 : i32
        %sign3A_852 = arith.extui %sign3A_851 : i1 to i32
        %sign3A_853 = arith.constant 0 : i32
        %sign3A_854 = arith.cmpi slt, %add3A_784, %sign3A_853 : i32
        %sign3A_855 = arith.extui %sign3A_854 : i1 to i32
        %sign3A_856 = arith.subi %sign3A_852, %sign3A_855 : i32
        %sign3A_857 = arith.constant 0 : i32
        %sign3A_858 = arith.cmpi sgt, %jit3A_848, %sign3A_857 : i32
        %sign3A_859 = arith.extui %sign3A_858 : i1 to i32
        %sign3A_860 = arith.constant 0 : i32
        %sign3A_861 = arith.cmpi slt, %jit3A_848, %sign3A_860 : i32
        %sign3A_862 = arith.extui %sign3A_861 : i1 to i32
        %sign3A_863 = arith.subi %sign3A_859, %sign3A_862 : i32
        %ne3A_864 = arith.cmpi ne, %sign3A_856, %sign3A_863 : i32
        %rem3A_865 = arith.remsi %add3A_784, %jit3A_848 : i32
        %ne3A_866 = arith.constant 0 : i32
        %ne3A_867 = arith.cmpi ne, %rem3A_865, %ne3A_866 : i32
        %and3A_868 = arith.andi %ne3A_864, %ne3A_867 : i1
        %sub3A_869 = arith.constant 1 : i32
        %sub3A_870 = arith.subi %div3A_849, %sub3A_869 : i32
        %select_n3A_871 = arith.select %and3A_868, %sub3A_870, %div3A_849 : i32
        %and3A_872 = arith.constant 1 : i32
        %and3A_873 = arith.andi %select_n3A_871, %and3A_872 : i32
        %mul3A_874 = arith.constant 8 : i32
        %mul3A_875 = arith.muli %and3A_873, %mul3A_874 : i32
        %jit3A_876 = arith.constant 4 : i32
        %eq3A_877 = arith.constant 0 : i32
        %eq3A_878 = arith.cmpi eq, %jit3A_876, %eq3A_877 : i32
        %jit3A_879 = arith.constant 1 : i32
        %select_n3A_880 = arith.select %eq3A_878, %jit3A_879, %jit3A_876 : i32
        %rem3A_881 = arith.remsi %add3A_784, %select_n3A_880 : i32
        %ne3A_882 = arith.constant 0 : i32
        %ne3A_883 = arith.cmpi ne, %rem3A_881, %ne3A_882 : i32
        %lt3A_884 = arith.constant 0 : i32
        %lt3A_885 = arith.cmpi slt, %rem3A_881, %lt3A_884 : i32
        %lt3A_886 = arith.constant 0 : i32
        %lt3A_887 = arith.cmpi slt, %select_n3A_880, %lt3A_886 : i32
        %ne3A_888 = arith.xori %lt3A_885, %lt3A_887 : i1
        %and3A_889 = arith.andi %ne3A_888, %ne3A_883 : i1
        %add3A_890 = arith.addi %rem3A_881, %select_n3A_880 : i32
        %select_n3A_891 = arith.select %and3A_889, %add3A_890, %rem3A_881 : i32
        %mul3A_892 = arith.constant 2 : i32
        %mul3A_893 = arith.muli %select_n3A_891, %mul3A_892 : i32
        %add3A_894 = arith.addi %mul3A_875, %mul3A_893 : i32
        %add3A_895 = arith.constant 1 : i32
        %add3A_896 = arith.addi %add3A_894, %add3A_895 : i32
        %dma_start3A_897 = arith.constant 0 : i32
        %dma_start3A_898 = arith.constant 0 : i32
        %dma_start3A_899 = arith.constant 100 : i32
        %dma_start3A_900 = arith.constant 0 : i32
        %dma_start3A_901 = tpu.memref_slice %arg7[%dma_start3A_897, %dma_start3A_899, %dma_start3A_900] : memref<2x200x128xf32, #tpu.memory_space<vmem>> -> memref<1x100x128xf32, #tpu.memory_space<vmem>>
        %dma_start3A_902 = tpu.memref_squeeze %dma_start3A_901 : memref<1x100x128xf32, #tpu.memory_space<vmem>> -> memref<100x128xf32, #tpu.memory_space<vmem>>
        %dma_start3A_903 = arith.constant 0 : i32
        %dma_start3A_904 = tpu.memref_slice %arg6[%add3A_896, %dma_start3A_903] : memref<16x100xi32, #tpu.memory_space<vmem>> -> memref<1x100xi32, #tpu.memory_space<vmem>>
        %dma_start3A_905 = tpu.memref_squeeze %dma_start3A_904 : memref<1x100xi32, #tpu.memory_space<vmem>> -> memref<100xi32, #tpu.memory_space<vmem>>
        %dma_start3A_906 = arith.constant 0 : i32
        %dma_start3A_907 = arith.constant 0 : i32
        %dma_start3A_908 = tpu.memref_slice %arg3[%dma_start3A_906, %dma_start3A_907] : memref<1000000x128xf32, #tpu.memory_space<hbm>> -> memref<1000000x128xf32, #tpu.memory_space<hbm>>
        %dma_start3A_909 = tpu.memref_slice %arg9[%dma_start3A_898] : memref<2x!tpu.dma_semaphore, #tpu.memory_space<semaphore_mem>> -> memref<1x!tpu.dma_semaphore, #tpu.memory_space<semaphore_mem>>
        %dma_start3A_910 = tpu.memref_squeeze %dma_start3A_909 : memref<1x!tpu.dma_semaphore, #tpu.memory_space<semaphore_mem>> -> memref<!tpu.dma_semaphore, #tpu.memory_space<semaphore_mem>>
        tpu.enqueue_indirect_dma source(%dma_start3A_908 : memref<1000000x128xf32, #tpu.memory_space<hbm>>) target(%dma_start3A_902 : memref<100x128xf32, #tpu.memory_space<vmem>>) offsets(%dma_start3A_905 : memref<100xi32, #tpu.memory_space<vmem>>) semaphore(%dma_start3A_910 : memref<!tpu.dma_semaphore, #tpu.memory_space<semaphore_mem>>)
      } else {
      }
      %scan3A_738 = arith.constant 0 : i32
      %scan3A_739 = arith.constant 200 : i32
      %scan3A_740 = arith.addi %scan3A_738, %scan3A_739 : i32
      %scan3A_741 = arith.constant 1 : i32
      scf.for %scan3A_763 = %scan3A_738 to %scan3A_740 step %scan3A_741  : i32 {
        %get3A = arith.index_cast %scan3A_763 : i32 to index
        %get3A_764 = arith.constant 0 : index
        %get3A_765 = tpu.vector_load %arg8[%get3A, %get3A_764] {strides = array<i32>} : memref<200x64xf32, #tpu.memory_space<vmem>>, vector<1x16xf32>,
        %get3A_766 = vector.shape_cast %get3A_765 : vector<1x16xf32> to vector<16xf32>
        %swap3A = arith.constant 1 : i32
        %swap3A_767 = arith.index_cast %swap3A : i32 to index
        %swap3A_768 = arith.index_cast %scan3A_763 : i32 to index
        %swap3A_769 = arith.constant 0 : index
        %swap3A_770 = tpu.vector_load %arg7[%swap3A_767, %swap3A_768, %swap3A_769] {strides = array<i32>} : memref<2x200x128xf32, #tpu.memory_space<vmem>>, vector<1x1x16xf32>,
        %swap3A_771 = vector.shape_cast %swap3A_770 : vector<1x1x16xf32> to vector<16xf32>
        %swap3A_772 = vector.shape_cast %get3A_766 : vector<16xf32> to vector<1x1x16xf32>
        tpu.vector_store %arg7[%swap3A_767, %swap3A_768, %swap3A_769], %swap3A_772 {add = true, strides = array<i32>} : memref<2x200x128xf32, #tpu.memory_space<vmem>>, vector<1x1x16xf32>,
        %get3A_773 = arith.index_cast %scan3A_763 : i32 to index
        %get3A_774 = arith.constant 16 : index
        %get3A_775 = tpu.vector_load %arg8[%get3A_773, %get3A_774] {strides = array<i32>} : memref<200x64xf32, #tpu.memory_space<vmem>>, vector<1x16xf32>,
        %get3A_776 = vector.shape_cast %get3A_775 : vector<1x16xf32> to vector<16xf32>
        %swap3A_777 = arith.constant 1 : i32
        %swap3A_778 = arith.index_cast %swap3A_777 : i32 to index
        %swap3A_779 = arith.index_cast %scan3A_763 : i32 to index
        %swap3A_780 = arith.constant 16 : index
        %swap3A_781 = tpu.vector_load %arg7[%swap3A_778, %swap3A_779, %swap3A_780] {strides = array<i32>} : memref<2x200x128xf32, #tpu.memory_space<vmem>>, vector<1x1x16xf32>,
        %swap3A_782 = vector.shape_cast %swap3A_781 : vector<1x1x16xf32> to vector<16xf32>
        %swap3A_783 = vector.shape_cast %get3A_776 : vector<16xf32> to vector<1x1x16xf32>
        tpu.vector_store %arg7[%swap3A_778, %swap3A_779, %swap3A_780], %swap3A_783 {add = true, strides = array<i32>} : memref<2x200x128xf32, #tpu.memory_space<vmem>>, vector<1x1x16xf32>,
        %get3A_784 = arith.index_cast %scan3A_763 : i32 to index
        %get3A_785 = arith.constant 32 : index
        %get3A_786 = tpu.vector_load %arg8[%get3A_784, %get3A_785] {strides = array<i32>} : memref<200x64xf32, #tpu.memory_space<vmem>>, vector<1x16xf32>,
        %get3A_787 = vector.shape_cast %get3A_786 : vector<1x16xf32> to vector<16xf32>
        %swap3A_788 = arith.constant 1 : i32
        %swap3A_789 = arith.index_cast %swap3A_788 : i32 to index
        %swap3A_790 = arith.index_cast %scan3A_763 : i32 to index
        %swap3A_791 = arith.constant 32 : index
        %swap3A_792 = tpu.vector_load %arg7[%swap3A_789, %swap3A_790, %swap3A_791] {strides = array<i32>} : memref<2x200x128xf32, #tpu.memory_space<vmem>>, vector<1x1x16xf32>,
        %swap3A_793 = vector.shape_cast %swap3A_792 : vector<1x1x16xf32> to vector<16xf32>
        %swap3A_794 = vector.shape_cast %get3A_787 : vector<16xf32> to vector<1x1x16xf32>
        tpu.vector_store %arg7[%swap3A_789, %swap3A_790, %swap3A_791], %swap3A_794 {add = true, strides = array<i32>} : memref<2x200x128xf32, #tpu.memory_space<vmem>>, vector<1x1x16xf32>,
        %get3A_795 = arith.index_cast %scan3A_763 : i32 to index
        %get3A_796 = arith.constant 48 : index
        %get3A_797 = tpu.vector_load %arg8[%get3A_795, %get3A_796] {strides = array<i32>} : memref<200x64xf32, #tpu.memory_space<vmem>>, vector<1x16xf32>,
        %get3A_798 = vector.shape_cast %get3A_797 : vector<1x16xf32> to vector<16xf32>
        %swap3A_799 = arith.constant 1 : i32
        %swap3A_800 = arith.index_cast %swap3A_799 : i32 to index
        %swap3A_801 = arith.index_cast %scan3A_763 : i32 to index
        %swap3A_802 = arith.constant 48 : index
        %swap3A_803 = tpu.vector_load %arg7[%swap3A_800, %swap3A_801, %swap3A_802] {strides = array<i32>} : memref<2x200x128xf32, #tpu.memory_space<vmem>>, vector<1x1x16xf32>,
        %swap3A_804 = vector.shape_cast %swap3A_803 : vector<1x1x16xf32> to vector<16xf32>
        %swap3A_805 = vector.shape_cast %get3A_798 : vector<16xf32> to vector<1x1x16xf32>
        tpu.vector_store %arg7[%swap3A_800, %swap3A_801, %swap3A_802], %swap3A_805 {add = true, strides = array<i32>} : memref<2x200x128xf32, #tpu.memory_space<vmem>>, vector<1x1x16xf32>,
      }
      %scan3A_742 = arith.constant 200 : i32
      %mul3A_743 = arith.constant 200 : i32
      %mul3A_744 = arith.muli %add3A_592, %mul3A_743 : i32
      %add3A_745 = arith.addi %mul3A_2, %mul3A_744 : i32
      %multiple_of3A_746 = tpu.assume_multiple %add3A_745, 8 : i32
      %dma_start3A_747 = arith.constant 1 : i32
      %dma_start3A_748 = arith.constant 1 : i32
      %dma_start3A_749 = arith.constant 0 : i32
      %dma_start3A_750 = arith.constant 0 : i32
      %dma_start3A_751 = tpu.memref_slice %arg7[%dma_start3A_747, %dma_start3A_749, %dma_start3A_750] : memref<2x200x128xf32, #tpu.memory_space<vmem>> -> memref<1x200x128xf32, #tpu.memory_space<vmem>>
      %dma_start3A_752 = tpu.memref_squeeze %dma_start3A_751 : memref<1x200x128xf32, #tpu.memory_space<vmem>> -> memref<200x128xf32, #tpu.memory_space<vmem>>
      %dma_start3A_753 = arith.constant 0 : i32
      %dma_start3A_754 = tpu.memref_slice %arg5[%multiple_of3A_746, %dma_start3A_753] : memref<819200x128xf32, #tpu.memory_space<hbm>> -> memref<200x128xf32, #tpu.memory_space<hbm>>
      %dma_start3A_755 = tpu.memref_slice %arg10[%dma_start3A_748] : memref<2x!tpu.dma_semaphore, #tpu.memory_space<semaphore_mem>> -> memref<1x!tpu.dma_semaphore, #tpu.memory_space<semaphore_mem>>
      %dma_start3A_756 = tpu.memref_squeeze %dma_start3A_755 : memref<1x!tpu.dma_semaphore, #tpu.memory_space<semaphore_mem>> -> memref<!tpu.dma_semaphore, #tpu.memory_space<semaphore_mem>>
      %dma_start3A_757 = arith.constant 0 : i32
      %dma_start3A_758 = tpu.memref_slice %arg5[%multiple_of3A_746, %dma_start3A_757] : memref<819200x128xf32, #tpu.memory_space<hbm>> -> memref<200x128xf32, #tpu.memory_space<hbm>>
      %dma_start3A_759 = arith.constant 0 : i32
      %dma_start3A_760 = arith.constant 0 : i32
      %dma_start3A_761 = tpu.memref_slice %arg7[%dma_start3A_747, %dma_start3A_759, %dma_start3A_760] : memref<2x200x128xf32, #tpu.memory_space<vmem>> -> memref<1x200x128xf32, #tpu.memory_space<vmem>>
      %dma_start3A_762 = tpu.memref_squeeze %dma_start3A_761 : memref<1x200x128xf32, #tpu.memory_space<vmem>> -> memref<200x128xf32, #tpu.memory_space<vmem>>
      tpu.enqueue_dma source(%dma_start3A_762 : memref<200x128xf32, #tpu.memory_space<vmem>>) target(%dma_start3A_758 : memref<200x128xf32, #tpu.memory_space<hbm>>) target_semaphore(%dma_start3A_756 : memref<!tpu.dma_semaphore, #tpu.memory_space<semaphore_mem>>)
    }
    %scan3A_80 = arith.constant 32 : i32
    %add3A_81 = arith.constant 25400 : i32
    %add3A_82 = arith.addi %mul3A_2, %add3A_81 : i32
    %multiple_of3A_83 = tpu.assume_multiple %add3A_82, 8 : i32
    %dma_wait3A_84 = arith.constant 1 : i32
    %dma_wait3A_85 = arith.constant 1 : i32
    %dma_wait3A_86 = arith.constant 0 : i32
    %dma_wait3A_87 = arith.constant 0 : i32
    %dma_wait3A_88 = tpu.memref_slice %arg7[%dma_wait3A_84, %dma_wait3A_86, %dma_wait3A_87] : memref<2x200x128xf32, #tpu.memory_space<vmem>> -> memref<1x200x128xf32, #tpu.memory_space<vmem>>
    %dma_wait3A_89 = tpu.memref_squeeze %dma_wait3A_88 : memref<1x200x128xf32, #tpu.memory_space<vmem>> -> memref<200x128xf32, #tpu.memory_space<vmem>>
    %dma_wait3A_90 = arith.constant 0 : i32
    %dma_wait3A_91 = tpu.memref_slice %arg5[%multiple_of3A_83, %dma_wait3A_90] : memref<819200x128xf32, #tpu.memory_space<hbm>> -> memref<200x128xf32, #tpu.memory_space<hbm>>
    %dma_wait3A_92 = tpu.memref_slice %arg10[%dma_wait3A_85] : memref<2x!tpu.dma_semaphore, #tpu.memory_space<semaphore_mem>> -> memref<1x!tpu.dma_semaphore, #tpu.memory_space<semaphore_mem>>
    %dma_wait3A_93 = tpu.memref_squeeze %dma_wait3A_92 : memref<1x!tpu.dma_semaphore, #tpu.memory_space<semaphore_mem>> -> memref<!tpu.dma_semaphore, #tpu.memory_space<semaphore_mem>>
    %dma_wait3A_94 = arith.constant 0 : i32
    %dma_wait3A_95 = tpu.memref_slice %arg5[%multiple_of3A_83, %dma_wait3A_94] : memref<819200x128xf32, #tpu.memory_space<hbm>> -> memref<200x128xf32, #tpu.memory_space<hbm>>
    %dma_wait3A_96 = arith.constant 0 : i32
    %dma_wait3A_97 = arith.constant 0 : i32
    %dma_wait3A_98 = tpu.memref_slice %arg7[%dma_wait3A_84, %dma_wait3A_96, %dma_wait3A_97] : memref<2x200x128xf32, #tpu.memory_space<vmem>> -> memref<1x200x128xf32, #tpu.memory_space<vmem>>
    %dma_wait3A_99 = tpu.memref_squeeze %dma_wait3A_98 : memref<1x200x128xf32, #tpu.memory_space<vmem>> -> memref<200x128xf32, #tpu.memory_space<vmem>>
    tpu.wait_dma2 semaphore(%dma_wait3A_93 : memref<!tpu.dma_semaphore, #tpu.memory_space<semaphore_mem>>) src(%dma_wait3A_99 : memref<200x128xf32, #tpu.memory_space<vmem>>) dst(%dma_wait3A_95 : memref<200x128xf32, #tpu.memory_space<hbm>>)
    return
  }
}

module attributes {stable_mosaic.version = 14 : i64} {
  func.func @_transpose_pad_body(%arg0: i32, %arg1: memref<64x7936xf32, #tpu.memory_space<vmem>>, %arg2: memref<7936x128xf32, #tpu.memory_space<vmem>>) attributes {dimension_semantics = [#tpu.dimension_semantics<arbitrary>], iteration_bounds = array<i64: 127>, scalar_prefetch = 0 : i64, scratch_operands = 0 : i64, tpu.core_type = #tpu.core_type<tc>, window_params = [{transform_indices = @transform_0, window_bounds = array<i64: 64, 7936>}, {transform_indices = @transform_1, window_bounds = array<i64: 7936, 128>}]} {
    %get3A = arith.constant 0 : index
    %get3A_0 = arith.constant 0 : index
    %get3A_1 = vector.load %arg1[%get3A, %get3A_0] : memref<64x7936xf32, #tpu.memory_space<vmem>>, vector<64x7936xf32>
    %transpose3A = tpu.transpose %get3A_1, [1, 0] : vector<64x7936xf32> -> vector<7936x64xf32>
    %swap3A = arith.constant 0 : index
    %swap3A_2 = arith.constant 0 : index
    %swap3A_3 = vector.load %arg2[%swap3A, %swap3A_2] : memref<7936x128xf32, #tpu.memory_space<vmem>>, vector<7936x64xf32>
    tpu.vector_store %arg2[%swap3A, %swap3A_2], %transpose3A {strides = array<i32>} : memref<7936x128xf32, #tpu.memory_space<vmem>>, vector<7936x64xf32>,
    %broadcast_in_dim3A = arith.constant 0.000000e+00 : f32
    %broadcast_in_dim3A_4 = vector.broadcast %broadcast_in_dim3A : f32 to vector<7936x64xf32>
    %swap3A_5 = arith.constant 0 : index
    %swap3A_6 = arith.constant 64 : index
    %swap3A_7 = vector.load %arg2[%swap3A_5, %swap3A_6] : memref<7936x128xf32, #tpu.memory_space<vmem>>, vector<7936x64xf32>
    tpu.vector_store %arg2[%swap3A_5, %swap3A_6], %broadcast_in_dim3A_4 {strides = array<i32>} : memref<7936x128xf32, #tpu.memory_space<vmem>>, vector<7936x64xf32>,
    return
  }
  func.func @transform_0(%arg0: i32) -> (i32, i32) {
    %c0_i32 = arith.constant 0 : i32
    %c0_i32_0 = arith.constant 0 : i32
    return %c0_i32, %arg0 : i32, i32
  }
  func.func @transform_1(%arg0: i32) -> (i32, i32) {
    %c0_i32 = arith.constant 0 : i32
    %c0_i32_0 = arith.constant 0 : i32
    return %arg0, %c0_i32 : i32, i32
  }
}

</mosaic_0001>

<sc_bundles>
// kernel: kernel.4.cloned.1.call-start
scs
__scs_entry_jumppad:
0x0: {  	(pc) =	sbr.rel $0x88, $3  }
0x1: {  	(tag) =	ssettag $0x0;
	lr =	simm.s32 $0x1  }
0x2: {  	[smem:$0x3F9E] =	sst lr;
	_ =	strace $0xD0000000  }
0x3: {  	_ = 	snop  }
0x4: {  	_ = 	snop  }
0x5: {  	_ = 	snop  }
0x6: {  	_ = 	snop  }
0x7: {  	_ = 	snop  }
__scs_overlays_trampoline_lowered:
0x8: {  	[smem:$0x3FAD] =	sst s0  }
0x9: {  	[smem:$0x3FAE] =	sst s1  }
0xa: {  	[smem:$0x3FAF] =	sst s2  }
0xb: {  	[smem:$0x3FB0] =	sst s3  }
0xc: {  	[smem:$0x3FB1] =	sst s4  }
0xd: {  	[smem:$0x3FB2] =	sst s5  }
0xe: {  	[smem:$0x3FB3] =	sst s6  }
0xf: {  	[smem:$0x3FB4] =	sst s7  }
0x10: {  	[smem:$0x3FB5] =	sst s8  }
0x11: {  	[smem:$0x3FB6] =	sst s9;
	s0 =	simm.s32 @!p0 $0x0  }
0x12: {  	s1 =	sld [smem:$0x3F9C];
	s0 =	simm.s32 @p0 $0x1  }
0x13: {  	[smem:$0x3FB7] =	sst s0;
	s0 =	simm.s32 @!p1 $0x0  }
0x14: {  	s2 =	sld [smem:$0x3F9B];
	s0 =	simm.s32 @p1 $0x1  }
0x15: {  	[smem:$0x3FB8] =	sst s0;
	s0 =	simm.s32 @!p2 $0x0  }
0x16: {  	s3 =	sld [smem:$0x3FDB];
	s0 =	simm.s32 @p2 $0x1  }
0x17: {  	s4 =	simm.s32 $0x1BF5;
	[smem:$0x3FBA] =	sst s0  }
0x18: {  	s0 =	sld [smem:$0x3F9D];
	_ =	swait.ge [sflag:s4], $0x0  }
0x19: {  	s7 =	sld [smem:$0x3F9E]  }
0x1a: {  	s8 =	sadd.s32 $0xFFFFE003, lr  }
0x1b: {  	s9 =	sadd.s32 $0xFFFFFEF7, lr;
	s5 =	simm.s32 $0xFFFFFFFF;
	p2 =	slt.u32 s8, $0xFFFFF086  }
0x1c: {  	p1 =	slt.u32 s9, $0xF7A;
	s5 =	simm.s32 @!p2 $0x0  }
0x1d: {  	s5 =	simm.s32 @p1 $0x1;
	p0 =	seq.s32 s7, s2  }
0x1e: {  	s7 =	smul.u32 @!p0 $0xF7A, s2;
	p2 =	seq.s32 @!p0 s5, $0x0  }
0x1f: {  	s9 =	smul.u32 $0xF7A, s1;
	s8 =	simm.s32 @!p0 $0x1BF5;
	p2 =	por !p2, p0  }
0x20: {  	[sflag:s8] =	ssyncset.s32 @!p0 $0xFFFFF086;
	s6 =	sadd.s32 @!p0 s3, s7;
	s7 =	simm.s32 @!p0 $0x108  }
0x21: {  	s3 =	sadd.s32 s3, s9;
	s6 =	sadd.s32 @!p0 $0x88, s6;
	s7 =	simm.s32 @p2 $0x1082  }
0x22: {  	[simem:s7], [sflag:s8] =	dma.local @!p0 [hbm:s6], $0xF7A  }
0x23: {  	s9 =	sor.u32 $0xD0000000, s2;
	s6 =	simm.s32 $0x108;
	_ =	swait.ge @!p0 [sflag:s8], $0x0  }
0x24: {  	s3 =	sadd.s32 $0x88, s3;
	s6 =	simm.s32 @!p1 $0x1082;
	[sflag:s4] =	ssyncset.s32 $0xFFFFF086  }
0x25: {  	[simem:s6], [sflag:s4] =	dma.local [hbm:s3], $0xF7A  }
0x26: {  	[smem:$0x3F9E] =	sst s1;
	(tag) =	ssettag s2;
	_ =	strace s9  }
0x27: {  	s1 =	sld [smem:$0x3FAE]  }
0x28: {  	s2 =	sld [smem:$0x3FAF]  }
0x29: {  	s4 =	sld [smem:$0x3FB1]  }
0x2a: {  	p0 =	seq.s32 s5, $0x0;
	s5 =	sld [smem:$0x3FB2]  }
0x2b: {  	s6 =	sld [smem:$0x3FB3]  }
0x2c: {  	s7 =	sld [smem:$0x3FB4]  }
0x2d: {  	s3 =	simm.s32 $0x108;
	s8 =	sld [smem:$0x3FB5]  }
0x2e: {  	s3 =	simm.s32 @!p0 $0x1082;
	s9 =	sld [smem:$0x3FB6]  }
0x2f: {  	lr =	sadd.s32 s0, s3;
	s0 =	sld [smem:$0x3FAD]  }
0x30: {  	s3 =	sld [smem:$0x3FB0]  }
0x31: {  	[smem:$0x3FB9] =	sst s10  }
0x32: {  	s10 =	sld [smem:$0x3FB7];
	_ =	sdelay $0x3  }
0x33: {  	p0 =	seq.s32 s10, $0x1;
	s10 =	sld [smem:$0x3FB9];
	_ =	sdelay $0x3  }
0x34: {  	[smem:$0x3FB9] =	sst s10  }
0x35: {  	s10 =	sld [smem:$0x3FB8];
	_ =	sdelay $0x3  }
0x36: {  	p1 =	seq.s32 s10, $0x1;
	s10 =	sld [smem:$0x3FB9];
	_ =	sdelay $0x3  }
0x37: {  	[smem:$0x3FB9] =	sst s10  }
0x38: {  	s10 =	sld [smem:$0x3FBA]  }
0x39: {  	_ = 	snop;
	(pc) =	sbr.ind lr, $3  }
0x3a: {  	_ = 	snop  }
0x3b: {  	_ = 	snop  }
0x3c: {  	p2 =	seq.s32 s10, $0x1;
	s10 =	sld [smem:$0x3FB9]  }
0x3d: {  	_ =	shalt  }
0x3e: {  	_ =	shalt  }
0x3f: {  	_ =	shalt  }
0x40: {  	_ =	shalt  }
0x41: {  	_ =	shalt  }
0x42: {  	_ =	shalt  }
0x43: {  	_ =	shalt  }
0x44: {  	_ =	shalt  }
0x45: {  	_ =	shalt  }
0x46: {  	_ =	shalt  }
0x47: {  	_ =	shalt  }
0x48: {  	_ =	shalt  }
0x49: {  	_ =	shalt  }
0x4a: {  	_ =	shalt  }
0x4b: {  	_ =	shalt  }
0x4c: {  	_ =	shalt  }
0x4d: {  	_ =	shalt  }
0x4e: {  	_ =	shalt  }
0x4f: {  	_ =	shalt  }
0x50: {  	_ =	shalt  }
0x51: {  	_ =	shalt  }
0x52: {  	_ =	shalt  }
0x53: {  	_ =	shalt  }
0x54: {  	_ =	shalt  }
0x55: {  	_ =	shalt  }
0x56: {  	_ =	shalt  }
0x57: {  	_ =	shalt  }
0x58: {  	_ =	shalt  }
0x59: {  	_ =	shalt  }
0x5a: {  	_ =	shalt  }
0x5b: {  	_ =	shalt  }
0x5c: {  	_ =	shalt  }
0x5d: {  	_ =	shalt  }
0x5e: {  	_ =	shalt  }
0x5f: {  	_ =	shalt  }
0x60: {  	_ =	shalt  }
0x61: {  	_ =	shalt  }
0x62: {  	_ =	shalt  }
0x63: {  	_ =	shalt  }
0x64: {  	_ =	shalt  }
0x65: {  	_ =	shalt  }
0x66: {  	_ =	shalt  }
0x67: {  	_ =	shalt  }
0x68: {  	_ =	shalt  }
0x69: {  	_ =	shalt  }
0x6a: {  	_ =	shalt  }
0x6b: {  	_ =	shalt  }
0x6c: {  	_ =	shalt  }
0x6d: {  	_ =	shalt  }
0x6e: {  	_ =	shalt  }
0x6f: {  	_ =	shalt  }
0x70: {  	_ =	shalt  }
0x71: {  	_ =	shalt  }
0x72: {  	_ =	shalt  }
0x73: {  	_ =	shalt  }
0x74: {  	_ =	shalt  }
0x75: {  	_ =	shalt  }
0x76: {  	_ =	shalt  }
0x77: {  	_ =	shalt  }
0x78: {  	_ =	shalt  }
0x79: {  	_ =	shalt  }
0x7a: {  	_ =	shalt  }
0x7b: {  	_ =	shalt  }
0x7c: {  	_ =	shalt  }
0x7d: {  	_ =	shalt  }
0x7e: {  	_ =	shalt  }
0x7f: {  	_ =	shalt  }
0x80: {  	_ =	shalt  }
0x81: {  	_ =	shalt  }
0x82: {  	_ =	shalt  }
0x83: {  	_ =	shalt  }
0x84: {  	_ =	shalt  }
0x85: {  	_ =	shalt  }
0x86: {  	_ =	shalt  }
0x87: {  	_ =	shalt  }
.Lfunc_end0:
.L_simem_size_0:
called_computation.1_lowered:
.L_overlay_start_0:
0x88: {  	s2 =	sld [smem:$0x3FD9]  }
0x89: {  	s3 =	sld [smem:$0x3FFE];
	_ =	sdelay $0x1  }
0x8a: {  	s1 =	srdreg.scid  }
0x8b: {  	s0 =	sand.u32 $0x1, s1  }
0x8c: {  	s17 =	sshll.u32 s0, $0xA;
	s2 =	sadd.s32 s3, s2  }
0x8d: {  	s2 =	sadd.s32 s2, s17  }
0x8e: {  	[smem:$0x3FC5] =	sst s2  }
0x8f: {  	_ = 	snop  }
0x90: {  	s2 =	sld [smem:$0x3FD0];
	(tm) =	ssettm $0x1  }
0x91: {  	s18 =	sld [smem:$0x3FFB];
	_ =	sdelay $0x3  }
0x92: {  	_ =	strace s18  }
0x93: {  	s3 =	sld [smem:$0x3FFC];
	_ =	sdelay $0x3  }
0x94: {  	_ =	strace s3  }
0x95: {  	s3 =	sld [smem:$0x3FFD];
	_ =	sdelay $0x3  }
0x96: {  	_ =	strace s3  }
0x97: {  	_ =	strace $0x8FFFFFFF  }
0x98: {  	s19 =	sld [smem:$0x3FDB];
	_ =	sdelay $0x1  }
0x99: {  	s4 =	simm.s32 $_scs_section_size  }
0x9a: {  	s5 =	simm.s32 $_size__tile_overlayer_lowered;
	s6 =	simm.s32 $_tile_overlayer_lowered  }
0x9b: {  	s22 =	simm.s32 $0x1BFF;
	s21 =	sshll.u32 s6, $0x1;
	s3 =	sadd.s32 s4, s19  }
0x9c: {  	s7 =	simm.s32 $0x0;
	s20 =	sshll.u32 s5, $0x1;
	s5 =	sadd.s32 s21, s3  }
0x9d: {  	[timem:s7], [sflag:s22] =	dma.local [hbm:s5], s20  }
0x9e: {  	_ =	swait.ge [sflag:s22], s20  }
0x9f: {  	s4 =	ssub.s32 $0x0, s20;
	[sflag:s22] =	ssyncset.done $0x0  }
0xa0: {  	[sflag:s22] =	ssyncadd.s32 s4;
	_ =	sdelay $0x1  }
0xa1: {  	s23 =	simm.s32 $0x1B8B  }
0xa2: {  	_ =	swait.ge [sflag:s23], $0x1  }
0xa3: {  	[sflag:s23] =	ssyncset.done $0x0  }
0xa4: {  	s25 =	simm.s32 $0x1B8E;
	s24 =	sld [smem:$0x3FFE];
	[sflag:s23] =	ssyncadd.s32 $0xFFFFFFFF  }
0xa5: {  	s26 =	simm.s32 $execute0_lowered;
	[smem:$0x3FD2] =	sst s25  }
0xa6: {  	s5 =	sshll.u32 s26, $0x1;
	_ =	strace $0x80000046;
	[dreg:$0x1] =	wrdreg $0xFFFFFFFF  }
0xa7: {  	s28 =	simm.s32 $_size_execute0_lowered;
	s3 =	sadd.s32 s3, s5;
	[dreg:$0x0] =	wrdreg $0x0  }
0xa8: {  	s5 =	sshll.u32 s28, $0x1;
	[dreg:$0x2] =	wrdreg s3  }
0xa9: {  	[dreg:$0x3] =	wrdreg s5  }
0xaa: {  	[dreg:$0x4] =	wrdreg $0xC0  }
0xab: {  	_ =	task [dreg:s7], $0x5FFFF  }
0xac: {  	[dreg:$0x1] =	wrdreg $0xFFFFFFFF  }
0xad: {  	[dreg:$0x0] =	wrdreg $0x60  }
0xae: {  	[dreg:$0x2] =	wrdreg s2  }
0xaf: {  	[dreg:$0x3] =	wrdreg s24  }
0xb0: {  	[dreg:$0x4] =	wrdreg $0x9  }
0xb1: {  	_ =	task.clear_ibuf [dreg:s7], $0x5FFFF;
	_ =	strace $0x90000046  }
0xb2: {  	s29 =	simm.s32 $0x9;
	_ =	strace $0x80000048  }
0xb3: {  	_ =	swait.ge [sflag:s29], $0x1  }
0xb4: {  	[sflag:s29] =	ssyncadd.s32 $0xFFFFFFFF  }
0xb5: {  	_ =	strace $0x90000048  }
0xb6: {  	_ =	sfence  }
0xb7: {  	s30 =	sld [smem:$0x0];
	_ =	sdelay $0x2  }
0xb8: {  	s31 =	sshll.u32 s1, $0xD;
	s1 =	sshrl.u32 s1, $0x2  }
0xb9: {  	s3 =	sand.u32 $0x4000, s31;
	s1 =	sadd.s32 s1, s30  }
0xba: {  	s0 =	sor.u32 s3, s0;
	s1 =	sshll.u32 s1, $0x11  }
0xbb: {  	s0 =	sor.u32 s1, s0  }
0xbc: {  	s0 =	sadd.s32 $0x8F2B, s0  }
0xbd: {  	[sflag:s0] =	ssyncadd.remote.s32 $0x1  }
0xbe: {  	_ =	sfence.sel $0xFFFF  }
0xbf: {  	[dreg:$0x0] =	wrdreg $0xFFFFFFFF;
	(pc) =	sbr.abs _section_cstart, $3  }
0xc0: {  	[dreg:$0x1] =	wrdreg $0xFFFFFFFF  }
0xc1: {  	_ =	task.clear_ibuf [dreg:s7], $0x2FFFF;
	_ =	strace $0x9FFFFFFF  }
0xc2: {  	(tm) =	ssettm $0x7FFFFFFF  }
0xc3: {  	_ =	shalt  }
tec
execute0_lowered:
.L_overlay_start_1:
0x0: {  	(tag) =	ssettag $0x1  }
0x1: {  	s0 =	rddreg [dreg:$0x0]  }
0x2: {  	s1 =	rddreg [dreg:$0x1]  }
0x3: {  	s2 =	simm.s32 $0x0;
	s4 =	srdreg.scid;
	s6 =	stileid.u32  }
0x4: {  	s15 =	simm.s32 $0x7;
	s16 =	simm.s32 $0x5;
	s17 =	simm.s32 $0x64  }
0x5: {  	s18 =	simm.s32 $0x800;
	s20 =	simm.s32 $0x3A00;
	s21 =	simm.s32 $0x400  }
0x6: {  	s22 =	simm.s32 $0x1;
	s23 =	simm.s32 $0x6C00;
	s24 =	simm.s32 $0x9E00  }
0x7: {  	s25 =	simm.s32 $0x2;
	s26 =	simm.s32 $0x3;
	s28 =	simm.s32 $0x4  }
0x8: {  	s29 =	simm.s32 $0x0;
	[smem:$0x7FF] =	sst s2;
	s3 =	sadd.s32 $0x1600, s1  }
0x9: {  	s5 =	sand.u32 $0x1, s4;
	s6 =	sshll.u32 s6, $0x1;
	s4 =	sadd.s32 $0x800, s1  }
0xa: {  	_ =	strace $0x80000047;
	s7 =	ssub.s32 $0x2, s5;
	s6 =	sor.u32 s5, s6  }
0xb: {  	s8 =	sshrl.u32 s7, $0x1;
	s5 =	smul.u32 $0x6400, s6;
	s9 =	sshll.u32 s6, $0xC  }
0xc: {  	s6 =	sadd.s32 $0xF43A00, s1;
	s31 =	ssub.s32 s7, s8;
	s7 =	sadd.s32 s0, s9  }
0xd: {  	s8 =	sadd.s32 $0x80, s7;
	s9 =	sor.u32 $0xC8, s5;
	s10 =	sor.u32 $0x190, s5  }
0xe: {  	s11 =	sadd.s32 $0x100, s7;
	s12 =	sor.u32 $0x258, s5;
	s13 =	smax.u32 s31, $0x1  }
.LBB2_1:
0xf: {  	s0 =	simm.s32 $0xD000  }
0x10: {  	[tilespmem:s0], [sflag:$0x7] =	stream.linear.gather [hbm4b:s4+s2], $0x6400, $0x38;
	[tilespmem:$0x13400] =	vst v63  }
0x11: {  	_ =	swait.ge [sflag:s15], $0x6400  }
0x12: {  	[sflag:s15] =	ssyncset.done $0x0  }
0x13: {  	[sflag:s15] =	ssyncadd.s32 $0xFFFF9C00  }
0x14: {  	[tilespmem:s2], [sflag:$0x5] =	stream.linear.gather [hbm4b:s7+s2], $0x400, $0x38;
	[tilespmem:$0x13400] =	vst v63  }
0x15: {  	_ =	swait.ge [sflag:s16], $0x400  }
0x16: {  	[sflag:s16] =	ssyncset.done $0x0  }
0x17: {  	[sflag:s16] =	ssyncadd.s32 $0xFFFFFC00  }
0x18: {  	[tilespmem:s18], [sflag:$0x1] =	stream.indirect.gather [hbm4b:s3+s17], $0x80, s2, s17, $0xb8;
	[tilespmem:$0x13400] =	vst v63  }
0x19: {  	s31 =	simm.s32 $0x80  }
0x1a: {  	[tilespmem:s20], [sflag:$0x1] =	stream.indirect.gather [hbm4b:s3+s17], $0x80, s31, s17, $0xb8;
	[tilespmem:$0x13400] =	vst v63  }
0x1b: {  	s30 =	simm.s32 $0x0  }
0x1c: {  	[tilespmem:s21], [sflag:$0x6] =	stream.linear.gather [hbm4b:s8+s2], $0x400, $0x38;
	[tilespmem:$0x13400] =	vst v63  }
.LBB2_2:
0x1d: {  	_ =	swait.ge [sflag:s22], $0x3200  }
0x1e: {  	[sflag:s22] =	ssyncset.done $0x0  }
0x1f: {  	[sflag:s22] =	ssyncadd.s32 $0xFFFFCE00  }
0x20: {  	_ =	swait.ge [sflag:s22], $0x3200  }
0x21: {  	p1 =	seq.s32 s30, $0x0;
	[sflag:s22] =	ssyncset.done $0x0  }
0x22: {  	s0 =	simm.s32 @!p1 $0x4;
	[sflag:s22] =	ssyncadd.s32 $0xFFFFCE00  }
0x23: {  	s1 =	sand.u32 $0x1, s30;
	_ =	swait.ge @!p1 [sflag:s0], $0x6400  }
0x24: {  	p0 =	seq.s32 s1, $0x1;
	s1 =	simm.s32 $0x500;
	[sflag:s0] =	ssyncset.done @!p1 $0x0  }
0x25: {  	s1 =	simm.s32 @!p0 $0x100;
	[sflag:s0] =	ssyncadd.s32 @!p1 $0xFFFF9C00  }
0x26: {  	[tilespmem:s23], [sflag:$0x2] =	stream.indirect.gather [hbm4b:s3+s17], $0x80, s1, s17, $0xb8;
	[tilespmem:$0x13400] =	vst v63  }
0x27: {  	s31 =	simm.s32 $0x0;
	s19 =	sor.u32 $0x80, s1  }
0x28: {  	[tilespmem:s24], [sflag:$0x2] =	stream.indirect.gather [hbm4b:s3+s17], $0x80, s19, s17, $0xb8;
	[tilespmem:$0x13400] =	vst v63  }
0x29: {  	v1 =	vld [tilespmem:s31+$0xD030]  }
0x2a: {  	v2 =	vld [tilespmem:s31+$0xD000]  }
0x2b: {  	v3 =	vld [tilespmem:s31+$0xD010]  }
0x2c: {  	v0 =	vld [tilespmem:s31+$0xD020];
	_ =	sdelay $0x1  }
0x2d: {  	[tilespmem:s31+$0x830] =	vst.add.f32.msk $0xffff, v1  }
0x2e: {  	[tilespmem:s31+$0x800] =	vst.add.f32.msk $0xffff, v2  }
0x2f: {  	s0 =	simm.s32 $0x80;
	s1 =	simm.s32 $0x400;
	[tilespmem:s31+$0x810] =	vst.add.f32.msk $0xffff, v3  }
.LBB2_3:
0x30: {  	p1 =	sne.s32 s1, $0x18E00;
	v1 =	vld [tilespmem:s0+$0xD030];
	v2 =	vmov v0  }
0x31: {  	v3 =	vld [tilespmem:s0+$0xD000]  }
0x32: {  	v4 =	vld [tilespmem:s0+$0xD010]  }
.Ltmp0:
0x33: {  	v0 =	vld [tilespmem:s0+$0xD020];
	(pc) =	sbr.rel @p1 .LBB2_3-.Ltmp0, $4  }
0x34: {  	[tilespmem:s31+$0x820] =	vst.add.f32.msk $0xffff, v2;
	s31 =	smov.u32 s0  }
0x35: {  	[tilespmem:s31+$0x830] =	vst.add.f32.msk $0xffff, v1  }
0x36: {  	[tilespmem:s31+$0x800] =	vst.add.f32.msk $0xffff, v3  }
0x37: {  	s0 =	sshra.s32 s1, $0x2;
	s1 =	sadd.s32 $0x200, s1;
	[tilespmem:s31+$0x810] =	vst.add.f32.msk $0xffff, v4  }
0x38: {  	v1 =	vld [tilespmem:s0+$0xD030]  }
0x39: {  	v2 =	vld [tilespmem:s0+$0xD000]  }
0x3a: {  	v3 =	vld [tilespmem:s0+$0xD010]  }
0x3b: {  	v4 =	vld [tilespmem:s0+$0xD020]  }
0x3c: {  	[tilespmem:s31+$0x820] =	vst.add.f32.msk $0xffff, v0;
	s31 =	smul.u32 $0x320, s30  }
0x3d: {  	[tilespmem:s0+$0x830] =	vst.add.f32.msk $0xffff, v1  }
0x3e: {  	s1 =	sadd.s32 s5, s31;
	[tilespmem:s0+$0x800] =	vst.add.f32.msk $0xffff, v2  }
0x3f: {  	s1 =	sshll.u32 s1, $0x4;
	[tilespmem:s0+$0x810] =	vst.add.f32.msk $0xffff, v3  }
0x40: {  	s19 =	simm.s32 $0x0;
	s14 =	sadd.s32 s6, s1;
	[tilespmem:s0+$0x820] =	vst.add.f32.msk $0xffff, v4  }
0x41: {  	[hbm4b:s14+s19] =	stream.linear.scatter [tilespmem:s18], [sflag:$0x3], $0x6400, $0x38;
	[tilespmem:$0x13400] =	vst v63  }
0x42: {  	_ =	swait.ge [sflag:s25], $0x3200  }
0x43: {  	[sflag:s25] =	ssyncset.done $0x0  }
0x44: {  	[sflag:s25] =	ssyncadd.s32 $0xFFFFCE00  }
0x45: {  	_ =	swait.ge [sflag:s25], $0x3200  }
0x46: {  	[sflag:s25] =	ssyncset.done $0x0  }
0x47: {  	[sflag:s25] =	ssyncadd.s32 $0xFFFFCE00  }
0x48: {  	_ =	swait.ge [sflag:s26], $0x6400  }
0x49: {  	s0 =	simm.s32 $0x600;
	[sflag:s26] =	ssyncset.done $0x0  }
0x4a: {  	s0 =	simm.s32 @!p0 $0x200;
	[sflag:s26] =	ssyncadd.s32 $0xFFFF9C00  }
0x4b: {  	[tilespmem:s18], [sflag:$0x1] =	stream.indirect.gather [hbm4b:s3+s17], $0x80, s0, s17, $0xb8;
	[tilespmem:$0x13400] =	vst v63  }
0x4c: {  	s0 =	sor.u32 $0x80, s0  }
0x4d: {  	[tilespmem:s20], [sflag:$0x1] =	stream.indirect.gather [hbm4b:s3+s17], $0x80, s0, s17, $0xb8;
	[tilespmem:$0x13400] =	vst v63  }
0x4e: {  	s0 =	simm.s32 $0x0  }
0x4f: {  	v1 =	vld [tilespmem:s0+$0xD030]  }
0x50: {  	v2 =	vld [tilespmem:s0+$0xD000]  }
0x51: {  	v3 =	vld [tilespmem:s0+$0xD010]  }
0x52: {  	v0 =	vld [tilespmem:s0+$0xD020];
	_ =	sdelay $0x1  }
0x53: {  	[tilespmem:s0+$0x6C30] =	vst.add.f32.msk $0xffff, v1  }
0x54: {  	[tilespmem:s0+$0x6C00] =	vst.add.f32.msk $0xffff, v2  }
0x55: {  	s1 =	simm.s32 $0x80;
	s14 =	simm.s32 $0x400;
	[tilespmem:s0+$0x6C10] =	vst.add.f32.msk $0xffff, v3  }
.LBB2_5:
0x56: {  	p1 =	sne.s32 s14, $0x18E00;
	v1 =	vld [tilespmem:s1+$0xD030];
	v2 =	vmov v0  }
0x57: {  	v3 =	vld [tilespmem:s1+$0xD000]  }
0x58: {  	v4 =	vld [tilespmem:s1+$0xD010]  }
.Ltmp1:
0x59: {  	v0 =	vld [tilespmem:s1+$0xD020];
	(pc) =	sbr.rel @p1 .LBB2_5-.Ltmp1, $4  }
0x5a: {  	[tilespmem:s0+$0x6C20] =	vst.add.f32.msk $0xffff, v2;
	s0 =	smov.u32 s1  }
0x5b: {  	[tilespmem:s0+$0x6C30] =	vst.add.f32.msk $0xffff, v1  }
0x5c: {  	[tilespmem:s0+$0x6C00] =	vst.add.f32.msk $0xffff, v3  }
0x5d: {  	s1 =	sshra.s32 s14, $0x2;
	s14 =	sadd.s32 $0x200, s14;
	[tilespmem:s0+$0x6C10] =	vst.add.f32.msk $0xffff, v4  }
0x5e: {  	v1 =	vld [tilespmem:s1+$0xD030]  }
0x5f: {  	v2 =	vld [tilespmem:s1+$0xD000]  }
0x60: {  	v3 =	vld [tilespmem:s1+$0xD010]  }
0x61: {  	v4 =	vld [tilespmem:s1+$0xD020]  }
0x62: {  	[tilespmem:s0+$0x6C20] =	vst.add.f32.msk $0xffff, v0  }
0x63: {  	[tilespmem:s1+$0x6C30] =	vst.add.f32.msk $0xffff, v1  }
0x64: {  	s14 =	sadd.s32 s31, s9;
	[tilespmem:s1+$0x6C00] =	vst.add.f32.msk $0xffff, v2  }
0x65: {  	s0 =	sshll.u32 s14, $0x4;
	[tilespmem:s1+$0x6C10] =	vst.add.f32.msk $0xffff, v3  }
0x66: {  	s19 =	simm.s32 $0x0;
	s0 =	sadd.s32 s6, s0;
	[tilespmem:s1+$0x6C20] =	vst.add.f32.msk $0xffff, v4  }
0x67: {  	[hbm4b:s0+s19] =	stream.linear.scatter [tilespmem:s23], [sflag:$0x4], $0x6400, $0x38;
	[tilespmem:$0x13400] =	vst v63  }
0x68: {  	_ =	swait.ge [sflag:s22], $0x3200  }
0x69: {  	[sflag:s22] =	ssyncset.done $0x0  }
0x6a: {  	[sflag:s22] =	ssyncadd.s32 $0xFFFFCE00  }
0x6b: {  	_ =	swait.ge [sflag:s22], $0x3200  }
0x6c: {  	[sflag:s22] =	ssyncset.done $0x0  }
0x6d: {  	[sflag:s22] =	ssyncadd.s32 $0xFFFFCE00  }
0x6e: {  	_ =	swait.ge [sflag:s28], $0x6400  }
0x6f: {  	s0 =	simm.s32 $0x700;
	[sflag:s28] =	ssyncset.done $0x0  }
0x70: {  	s0 =	simm.s32 @!p0 $0x300;
	[sflag:s28] =	ssyncadd.s32 $0xFFFF9C00  }
0x71: {  	[tilespmem:s23], [sflag:$0x2] =	stream.indirect.gather [hbm4b:s3+s17], $0x80, s0, s17, $0xb8;
	[tilespmem:$0x13400] =	vst v63  }
0x72: {  	s0 =	sor.u32 $0x80, s0  }
0x73: {  	[tilespmem:s24], [sflag:$0x2] =	stream.indirect.gather [hbm4b:s3+s17], $0x80, s0, s17, $0xb8;
	[tilespmem:$0x13400] =	vst v63  }
0x74: {  	s0 =	simm.s32 $0x0  }
0x75: {  	v1 =	vld [tilespmem:s0+$0xD030]  }
0x76: {  	v2 =	vld [tilespmem:s0+$0xD000]  }
0x77: {  	v3 =	vld [tilespmem:s0+$0xD010]  }
0x78: {  	v0 =	vld [tilespmem:s0+$0xD020];
	_ =	sdelay $0x1  }
0x79: {  	[tilespmem:s0+$0x830] =	vst.add.f32.msk $0xffff, v1  }
0x7a: {  	[tilespmem:s0+$0x800] =	vst.add.f32.msk $0xffff, v2  }
0x7b: {  	s14 =	simm.s32 $0x400;
	s1 =	simm.s32 $0x80;
	[tilespmem:s0+$0x810] =	vst.add.f32.msk $0xffff, v3  }
.LBB2_7:
0x7c: {  	p0 =	sne.s32 s14, $0x18E00;
	v1 =	vld [tilespmem:s1+$0xD030];
	v2 =	vmov v0  }
0x7d: {  	v3 =	vld [tilespmem:s1+$0xD000]  }
0x7e: {  	v4 =	vld [tilespmem:s1+$0xD010]  }
.Ltmp2:
0x7f: {  	v0 =	vld [tilespmem:s1+$0xD020];
	(pc) =	sbr.rel @p0 .LBB2_7-.Ltmp2, $4  }
0x80: {  	[tilespmem:s0+$0x820] =	vst.add.f32.msk $0xffff, v2;
	s0 =	smov.u32 s1  }
0x81: {  	[tilespmem:s0+$0x830] =	vst.add.f32.msk $0xffff, v1  }
0x82: {  	[tilespmem:s0+$0x800] =	vst.add.f32.msk $0xffff, v3  }
0x83: {  	s1 =	sshra.s32 s14, $0x2;
	s14 =	sadd.s32 $0x200, s14;
	[tilespmem:s0+$0x810] =	vst.add.f32.msk $0xffff, v4  }
0x84: {  	v1 =	vld [tilespmem:s1+$0xD030]  }
0x85: {  	v2 =	vld [tilespmem:s1+$0xD000]  }
0x86: {  	v3 =	vld [tilespmem:s1+$0xD010]  }
0x87: {  	v4 =	vld [tilespmem:s1+$0xD020]  }
0x88: {  	[tilespmem:s0+$0x820] =	vst.add.f32.msk $0xffff, v0  }
0x89: {  	[tilespmem:s1+$0x830] =	vst.add.f32.msk $0xffff, v1  }
0x8a: {  	s19 =	sadd.s32 s31, s10;
	[tilespmem:s1+$0x800] =	vst.add.f32.msk $0xffff, v2  }
0x8b: {  	s0 =	sshll.u32 s19, $0x4;
	[tilespmem:s1+$0x810] =	vst.add.f32.msk $0xffff, v3  }
0x8c: {  	s0 =	sadd.s32 s6, s0;
	[tilespmem:s1+$0x820] =	vst.add.f32.msk $0xffff, v4  }
0x8d: {  	[hbm4b:s0+s2] =	stream.linear.scatter [tilespmem:s18], [sflag:$0x3], $0x6400, $0x38;
	[tilespmem:$0x13400] =	vst v63  }
0x8e: {  	_ =	swait.ge [sflag:s25], $0x3200  }
0x8f: {  	[sflag:s25] =	ssyncset.done $0x0  }
0x90: {  	p0 =	sgt.u32 s30, $0x1D;
	[sflag:s25] =	ssyncadd.s32 $0xFFFFCE00  }
0x91: {  	s19 =	simm.s32 @!p0 $0x0;
	s1 =	sshll.u32 @!p0 s30, $0x7;
	_ =	swait.ge [sflag:s25], $0x3200  }
0x92: {  	s0 =	sand.u32 @!p0 $0x1, s30;
	s1 =	sadd.s32 @!p0 s1, s11;
	[sflag:s25] =	ssyncset.done $0x0  }
0x93: {  	s14 =	sshll.u32 @!p0 s0, $0xA;
	s0 =	sadd.s32 @!p0 $0x5, s0;
	[sflag:s25] =	ssyncadd.s32 $0xFFFFCE00  }
0x94: {  	[tilespmem:s14], [sflag:s0] =	stream.linear.gather @!p0 [hbm4b:s1+s19], $0x400, $0x38;
	[tilespmem:$0x13400] =	vst v63  }
0x95: {  	p0 =	seq.s32 s30, $0x1F  }
0x96: {  	_ =	swait.ge [sflag:s26], $0x6400;
	s0 =	sxor.u32 @!p0 $0xFFFFFFFF, s30  }
0x97: {  	[sflag:s26] =	ssyncset.done $0x0;
	s1 =	sand.u32 @!p0 $0x1, s0  }
0x98: {  	[sflag:s26] =	ssyncadd.s32 $0xFFFF9C00;
	s1 =	sadd.s32 @!p0 $0x5, s1  }
0x99: {  	_ =	swait.ge @!p0 [sflag:s1], $0x400  }
0x9a: {  	s14 =	simm.s32 @!p0 $0x800;
	s0 =	sshll.u32 @!p0 s0, $0xA;
	[sflag:s1] =	ssyncset.done @!p0 $0x0  }
0x9b: {  	s0 =	sand.u32 @!p0 $0x400, s0;
	[sflag:s1] =	ssyncadd.s32 @!p0 $0xFFFFFC00;
	s1 =	simm.s32 @!p0 $0x64  }
0x9c: {  	[tilespmem:s14], [sflag:$0x1] =	stream.indirect.gather @!p0 [hbm4b:s3+s1], $0x80, s0, s1, $0xb8;
	[tilespmem:$0x13400] =	vst v63  }
0x9d: {  	s0 =	sor.u32 @!p0 $0x80, s0;
	s14 =	simm.s32 @!p0 $0x3A00  }
0x9e: {  	[tilespmem:s14], [sflag:$0x1] =	stream.indirect.gather @!p0 [hbm4b:s3+s1], $0x80, s0, s1, $0xb8;
	[tilespmem:$0x13400] =	vst v63  }
0x9f: {  	s0 =	simm.s32 $0x0  }
0xa0: {  	v1 =	vld [tilespmem:s0+$0xD030]  }
0xa1: {  	v2 =	vld [tilespmem:s0+$0xD000]  }
0xa2: {  	v3 =	vld [tilespmem:s0+$0xD010]  }
0xa3: {  	v0 =	vld [tilespmem:s0+$0xD020];
	_ =	sdelay $0x1  }
0xa4: {  	[tilespmem:s0+$0x6C30] =	vst.add.f32.msk $0xffff, v1  }
0xa5: {  	[tilespmem:s0+$0x6C00] =	vst.add.f32.msk $0xffff, v2  }
0xa6: {  	s1 =	simm.s32 $0x80;
	s14 =	simm.s32 $0x400;
	[tilespmem:s0+$0x6C10] =	vst.add.f32.msk $0xffff, v3  }
.LBB2_9:
0xa7: {  	p0 =	sne.s32 s14, $0x18E00;
	v1 =	vld [tilespmem:s1+$0xD030];
	v2 =	vmov v0  }
0xa8: {  	v3 =	vld [tilespmem:s1+$0xD000]  }
0xa9: {  	v4 =	vld [tilespmem:s1+$0xD010]  }
.Ltmp3:
0xaa: {  	v0 =	vld [tilespmem:s1+$0xD020];
	(pc) =	sbr.rel @p0 .LBB2_9-.Ltmp3, $4  }
0xab: {  	[tilespmem:s0+$0x6C20] =	vst.add.f32.msk $0xffff, v2;
	s0 =	smov.u32 s1  }
0xac: {  	[tilespmem:s0+$0x6C30] =	vst.add.f32.msk $0xffff, v1  }
0xad: {  	[tilespmem:s0+$0x6C00] =	vst.add.f32.msk $0xffff, v3  }
0xae: {  	s1 =	sshra.s32 s14, $0x2;
	s14 =	sadd.s32 $0x200, s14;
	[tilespmem:s0+$0x6C10] =	vst.add.f32.msk $0xffff, v4  }
0xaf: {  	v1 =	vld [tilespmem:s1+$0xD030]  }
0xb0: {  	v2 =	vld [tilespmem:s1+$0xD000]  }
0xb1: {  	v3 =	vld [tilespmem:s1+$0xD010]  }
0xb2: {  	v4 =	vld [tilespmem:s1+$0xD020];
	s30 =	sadd.s32 $0x1, s30  }
0xb3: {  	[tilespmem:s0+$0x6C20] =	vst.add.f32.msk $0xffff, v0;
	p0 =	sne.s32 s30, $0x20  }
.Ltmp4:
0xb4: {  	[tilespmem:s1+$0x6C30] =	vst.add.f32.msk $0xffff, v1;
	(pc) =	sbr.rel @p0 .LBB2_2-.Ltmp4, $4  }
0xb5: {  	s31 =	sadd.s32 s31, s12;
	[tilespmem:s1+$0x6C00] =	vst.add.f32.msk $0xffff, v2  }
0xb6: {  	s0 =	sshll.u32 s31, $0x4;
	[tilespmem:s1+$0x6C10] =	vst.add.f32.msk $0xffff, v3  }
0xb7: {  	s0 =	sadd.s32 s6, s0;
	[tilespmem:s1+$0x6C20] =	vst.add.f32.msk $0xffff, v4  }
0xb8: {  	[hbm4b:s0+s2] =	stream.linear.scatter [tilespmem:s23], [sflag:$0x4], $0x6400, $0x38;
	[tilespmem:$0x13400] =	vst v63  }
0xb9: {  	s29 =	sadd.s32 $0x1, s29  }
0xba: {  	p0 =	sne.s32 s29, s13  }
.Ltmp5:
0xbb: {  	_ = 	snop;
	(pc) =	sbr.rel @p0 .LBB2_1-.Ltmp5, $4  }
0xbc: {  	_ = 	snop  }
0xbd: {  	_ =	swait.ge [sflag:s28], $0x6400  }
0xbe: {  	[sflag:s28] =	ssyncset.done $0x0  }
0xbf: {  	[sflag:s28] =	ssyncadd.s32 $0xFFFF9C00  }
0xc0: {  	_ =	sfence.sel $0x180000  }
0xc1: {  	[bflag:$0x0] =	sbarrier.arrive $0xFFFF  }
0xc2: {  	_ =	strace $0x90000047  }
0xc3: {  	s0 =	stileid.u32;
	[bflag:$0x2] =	sbarrier.arrive $0xFFFF  }
0xc4: {  	p0 =	sne.s32 s0, $0x0;
	s0 =	rddreg [dreg:$0x2]  }
0xc5: {  	s0 =	sadd.s32 @!p0 $0x100000, s0  }
0xc6: {  	[sflag:s0] =	ssyncadd.tile.s32 @!p0 $0x1;
	_ =	shalt  }
.Lfunc_end2:
_tile_overlayer_lowered:
.L_overlay_start_2:
0xc7: {  	(tag) =	ssettag $0x2  }
0xc8: {  	s0 =	rddreg [dreg:$0x0];
	s2 =	stileid.u32  }
0xc9: {  	s1 =	rddreg [dreg:$0x1];
	p0 =	sne.s32 s2, $0x0  }
0xca: {  	s3 =	rddreg [dreg:$0x2];
	[bflag:$0x3] =	sbarrier.arrive $0xFFFF;
	s2 =	simm.s32 @!p0 $0x1C07  }
0xcb: {  	[timem:s3], [sflag:s2] =	dma.local @!p0 [hbm:s0], s1  }
0xcc: {  	s0 =	simm.s32 @!p0 $0x7  }
0xcd: {  	_ =	swait.ge @!p0 [sflag:s0], s1  }
0xce: {  	s1 =	ssub.s32 @!p0 $0x0, s1;
	[sflag:s0] =	ssyncset.done @!p0 $0x0  }
0xcf: {  	[sflag:s0] =	ssyncadd.s32 @!p0 s1  }
0xd0: {  	[bflag:$0x3] =	sbarrier.arrive $0xFFFF  }
0xd1: {  	_ =	shalt  }

// kernel: sparse-core-data-format-call.cloned.1.call-start
scs
called_computation_lowered:
.L_overlay_start_0:
0x0: {  	s2 =	sld [smem:$0x3FD9]  }
0x1: {  	s3 =	sld [smem:$0x3FFE];
	_ =	sdelay $0x1  }
0x2: {  	s1 =	srdreg.scid  }
0x3: {  	s0 =	sand.u32 $0x1, s1  }
0x4: {  	s18 =	sshll.u32 s0, $0xA;
	s2 =	sadd.s32 s3, s2  }
0x5: {  	s2 =	sadd.s32 s2, s18  }
0x6: {  	[smem:$0x3FC5] =	sst s2  }
0x7: {  	_ = 	snop  }
0x8: {  	s2 =	sld [smem:$0x3FD0];
	(tm) =	ssettm $0x1  }
0x9: {  	s19 =	sld [smem:$0x3FFB];
	_ =	sdelay $0x3  }
0xa: {  	_ =	strace s19  }
0xb: {  	s3 =	sld [smem:$0x3FFC];
	_ =	sdelay $0x3  }
0xc: {  	_ =	strace s3  }
0xd: {  	s3 =	sld [smem:$0x3FFD];
	_ =	sdelay $0x3  }
0xe: {  	_ =	strace s3  }
0xf: {  	_ =	strace $0x8FFFFFFF  }
0x10: {  	s20 =	sld [smem:$0x3FDB];
	_ =	sdelay $0x1  }
0x11: {  	s4 =	simm.s32 $_scs_section_size  }
0x12: {  	s5 =	simm.s32 $_size__tile_overlayer_lowered;
	s6 =	simm.s32 $_tile_overlayer_lowered  }
0x13: {  	s23 =	simm.s32 $0x1BFF;
	s22 =	sshll.u32 s6, $0x1;
	s3 =	sadd.s32 s4, s20  }
0x14: {  	s7 =	simm.s32 $0x0;
	s21 =	sshll.u32 s5, $0x1;
	s5 =	sadd.s32 s22, s3  }
0x15: {  	[timem:s7], [sflag:s23] =	dma.local [hbm:s5], s21  }
0x16: {  	_ =	swait.ge [sflag:s23], s21  }
0x17: {  	s4 =	ssub.s32 $0x0, s21;
	[sflag:s23] =	ssyncset.done $0x0  }
0x18: {  	[sflag:s23] =	ssyncadd.s32 s4;
	_ =	sdelay $0x1  }
0x19: {  	s24 =	simm.s32 $0x1B8B  }
0x1a: {  	_ =	swait.ge [sflag:s24], $0x1  }
0x1b: {  	[sflag:s24] =	ssyncset.done $0x0  }
0x1c: {  	s26 =	simm.s32 $0x1B8E;
	s25 =	sld [smem:$0x3FFE];
	[sflag:s24] =	ssyncadd.s32 $0xFFFFFFFF  }
0x1d: {  	s27 =	simm.s32 $execute0_lowered;
	[smem:$0x3FD2] =	sst s26  }
0x1e: {  	s5 =	sshll.u32 s27, $0x1;
	_ =	strace $0x80000049;
	[dreg:$0x1] =	wrdreg $0xFFFFFFFF  }
0x1f: {  	s28 =	simm.s32 $_size_execute0_lowered;
	s3 =	sadd.s32 s3, s5;
	[dreg:$0x0] =	wrdreg $0x0  }
0x20: {  	s5 =	sshll.u32 s28, $0x1;
	[dreg:$0x2] =	wrdreg s3  }
0x21: {  	[dreg:$0x3] =	wrdreg s5  }
0x22: {  	[dreg:$0x4] =	wrdreg $0xC0  }
0x23: {  	_ =	task [dreg:s7], $0x5FFFF  }
0x24: {  	[dreg:$0x1] =	wrdreg $0xFFFFFFFF  }
0x25: {  	[dreg:$0x0] =	wrdreg $0x60  }
0x26: {  	[dreg:$0x2] =	wrdreg s25  }
0x27: {  	[dreg:$0x3] =	wrdreg s2  }
0x28: {  	[dreg:$0x4] =	wrdreg $0x9  }
0x29: {  	_ =	task.clear_ibuf [dreg:s7], $0x5FFFF;
	_ =	strace $0x90000049  }
0x2a: {  	s29 =	simm.s32 $0x9;
	_ =	strace $0x8000004B  }
0x2b: {  	_ =	swait.ge [sflag:s29], $0x1  }
0x2c: {  	[sflag:s29] =	ssyncadd.s32 $0xFFFFFFFF  }
0x2d: {  	_ =	strace $0x9000004B  }
0x2e: {  	_ =	sfence  }
0x2f: {  	s30 =	sld [smem:$0x0];
	_ =	sdelay $0x2  }
0x30: {  	s31 =	sshll.u32 s1, $0xD;
	s1 =	sshrl.u32 s1, $0x2  }
0x31: {  	s3 =	sand.u32 $0x4000, s31;
	s1 =	sadd.s32 s1, s30  }
0x32: {  	s0 =	sor.u32 s3, s0;
	s1 =	sshll.u32 s1, $0x11  }
0x33: {  	s0 =	sor.u32 s1, s0  }
0x34: {  	s0 =	sadd.s32 $0x8F2B, s0  }
0x35: {  	[sflag:s0] =	ssyncadd.remote.s32 $0x1  }
0x36: {  	_ =	sfence.sel $0xFFFF  }
0x37: {  	[dreg:$0x0] =	wrdreg $0xFFFFFFFF;
	(pc) =	sbr.abs _section_cstart, $3  }
0x38: {  	[dreg:$0x1] =	wrdreg $0xFFFFFFFF  }
0x39: {  	_ =	task.clear_ibuf [dreg:s7], $0x2FFFF;
	_ =	strace $0x9FFFFFFF  }
0x3a: {  	(tm) =	ssettm $0x7FFFFFFF  }
0x3b: {  	_ =	shalt  }
tec
execute0_lowered:
.L_overlay_start_1:
0x0: {  	(tag) =	ssettag $0x1  }
0x1: {  	s0 =	srdreg.scid  }
0x2: {  	s1 =	sshll.u32 s0, $0x4  }
0x3: {  	s0 =	stileid.u32;
	s1 =	sand.u32 $0x10, s1  }
0x4: {  	s1 =	sor.u32 s0, s1  }
0x5: {  	s6 =	rddreg [dreg:$0x0];
	s4 =	simm.s32 $0x1;
	s2 =	sshll.u32 s1, $0x7  }
0x6: {  	s7 =	simm.s32 $0x2;
	s12 =	simm.s32 $0x0;
	s1 =	ssub.s32 $0x1000, s2  }
0x7: {  	s8 =	simm.s32 $0x8000;
	s13 =	simm.s32 $0x0;
	s3 =	sand.u32 $0xF80, s1  }
0x8: {  	s9 =	simm.s32 $0x0;
	s5 =	sshrl.u32 s1, $0xC;
	p0 =	sne.s32 s3, $0x0  }
.Ltmp0:
0x9: {  	s1 =	rddreg [dreg:$0x2];
	s4 =	simm.s32 @!p0 $0x0;
	(pc) =	sbr.rel .LBB1_1-.Ltmp0, $4  }
0xa: {  	s11 =	simm.s32 $0x0;
	s3 =	rddreg [dreg:$0x1];
	s5 =	sadd.s32 s4, s5  }
0xb: {  	_ =	strace $0x8000004A;
	s4 =	simm.s32 $0x1;
	s5 =	smul.u32 $0xC8, s5  }
0xc: {  	s6 =	sadd.s32 $0xF43A00, s6;
	s10 =	smov.u32 s2;
	[sflag:s4] =	ssyncpa.u1 $0x0  }
0xd: {  	p0 =	por $0x0, $0x0;
	[sflag:s7] =	ssyncpa.u1 $0x0;
	s7 =	sor.u32 $0x1, s5  }
.LBB1_4:
0xe: {  	s16 =	sshll.u32 s13, $0x3;
	s17 =	sand.u32 $0x78, s13  }
0xf: {  	s30 =	sand.u32 $0x7E00, s13;
	s12 =	sshll.u32 s12, $0xF;
	s16 =	sand.u32 $0xC00, s16  }
0x10: {  	[tilespmem:s15+$0x810 ss:$0x81] =	vst.msk $0xffff, v2;
	s31 =	sand.u32 $0x7, s13;
	s16 =	sor.u32 s17, s16;
	s17 =	sadd.s32 s3, s30  }
0x11: {  	[tilespmem:s15+$0x1020 ss:$0x81] =	vst.msk $0xffff, v0;
	s13 =	sshll.u32 s31, $0x12;
	s12 =	sadd.s32 s12, s17;
	s16 =	sshrl.u32 s16, $0x3  }
0x12: {  	[tilespmem:s15+$0x0 ss:$0x81] =	vst.msk $0xffff, v1;
	s13 =	sor.u32 $0x400, s13;
	s12 =	sadd.s32 s16, s12  }
0x13: {  	[hbm4b:s12+s13] =	stream.strided.scatter [tilespmem:s14], [sflag:$0x2], $0x2000, s8, s13, $0x20;
	[tilespmem:$0x8080] =	vst v63  }
.LBB1_5:
0x14: {  	s14 =	sadd.s32 $0x1, s9  }
0x15: {  	s12 =	sadd.s32 $0x1000, s10;
	s16 =	smov.u32 s10;
	p2 =	sgt.s32 s14, $0xC7  }
0x16: {  	s16 =	smov.u32 @p2 s12  }
0x17: {  	s14 =	simm.s32 @p2 $0x0;
	p2 =	sgt.s32 s16, $0xFFF  }
0x18: {  	s16 =	smov.u32 @p2 s2;
	p2 =	sne.s32 s11, s7  }
.Ltmp1:
0x19: {  	p1 =	slt.u32 s11, $0x2;
	(pc) =	sbr.rel @!p2 .LBB1_6-.Ltmp1, $4  }
0x1a: {  	s15 =	simm.s32 @!p1 $0x2  }
0x1b: {  	s13 =	smov.u32 s10;
	p0 =	por !p0, !p0;
	_ =	swait.ge @!p1 [sflag:s15], $0x2000  }
0x1c: {  	s12 =	smov.u32 s9;
	[sflag:s15] =	ssyncset.done @!p1 $0x0;
	s9 =	smov.u32 s14  }
0x1d: {  	s11 =	sadd.s32 $0x1, s11;
	[sflag:s15] =	ssyncadd.s32 @!p1 $0xFFFFE000;
	s10 =	smov.u32 s16  }
.LBB1_1:
0x1e: {  	p1 =	sge.u32 s11, s5  }
0x1f: {  	s14 =	sand.u32 @!p1 $0x1FFFFFF, s9  }
0x20: {  	s15 =	smulhi.u32 @!p1 $0x147AE15, s14;
	_ =	sdelay $0x1  }
0x21: {  	s15 =	smul.u32 @!p1 $0xC8, s15  }
0x22: {  	s16 =	sxor.u32 @!p1 $0xFFFFFFFF, s11;
	s17 =	smul.u32 @!p1 $0xC80, s10  }
0x23: {  	s31 =	sadd.s32 $0xFFFFFFFF, s11;
	s16 =	sshll.u32 @!p1 s16, $0xD;
	s14 =	ssub.s32 @!p1 s14, s15  }
0x24: {  	s15 =	sand.u32 @!p1 $0x2000, s16;
	s16 =	sadd.s32 @!p1 s6, s17;
	s14 =	sshll.u32 @!p1 s14, $0x4  }
0x25: {  	s17 =	simm.s32 @!p1 $0x6400;
	s14 =	sadd.s32 @!p1 s14, s16;
	s16 =	simm.s32 @!p1 $0x40  }
0x26: {  	[tilespmem:s15], [sflag:$0x1] =	stream.strided.gather @!p1 [hbm4b:s14+s16], $0x2000, s17, s16, $0x38;
	[tilespmem:$0x8080] =	vst v63  }
0x27: {  	p1 =	sge.u32 s31, s5  }
.Ltmp2:
0x28: {  	_ = 	snop;
	(pc) =	sbr.rel @p1 .LBB1_5-.Ltmp2, $1  }
0x29: {  	_ =	sdelay $0x3  }
0x2a: {  	s14 =	simm.s32 $0x1  }
0x2b: {  	_ =	swait.ge [sflag:s4], $0x2000;
	s14 =	simm.s32 @!p0 $0x0  }
0x2c: {  	[sflag:s4] =	ssyncset.done $0x0;
	s15 =	sshll.u32 s14, $0xD  }
0x2d: {  	[sflag:s4] =	ssyncadd.s32 $0xFFFFE000;
	s18 =	sor.u32 $0x20, s15  }
0x2e: {  	s14 =	smul.u32 $0x8100, s14;
	v3 =	vld [tilespmem:s18+$0x10]  }
0x2f: {  	s30 =	sand.u32 $0x1, s11;
	v2 =	vld [tilespmem:s18+$0xFFFFFFF0]  }
0x30: {  	s15 =	smul.u32 $0x8100, s30;
	s14 =	sshrl.u32 s14, $0x2;
	v0 =	vld [tilespmem:s18+$0x0]  }
0x31: {  	v1 =	vld [tilespmem:s18+$0xFFFFFFE0];
	s16 =	sor.u32 $0x4000, s14  }
0x32: {  	s31 =	sshrl.u32 s15, $0x2;
	s15 =	sadd.s32 $0x0, s16  }
0x33: {  	s17 =	simm.s32 $0x4;
	s18 =	sadd.s32 $0x40, s18;
	s14 =	sor.u32 $0x4000, s31;
	[tilespmem:s15+$0x1830 ss:$0x81] =	vst.msk $0xffff, v3  }
.LBB1_3:
0x34: {  	v3 =	vld [tilespmem:s18+$0x10];
	p1 =	sne.s32 s17, $0x1FC;
	[tilespmem:s15+$0x810 ss:$0x81] =	vst.msk $0xffff, v2;
	s19 =	smov.u32 s17;
	s17 =	sadd.s32 $0x4, s17  }
.Ltmp3:
0x35: {  	v2 =	vld [tilespmem:s18+$0xFFFFFFF0];
	[tilespmem:s15+$0x1020 ss:$0x81] =	vst.msk $0xffff, v0;
	(pc) =	sbr.rel @p1 .LBB1_3-.Ltmp3, $4  }
0x36: {  	v0 =	vld [tilespmem:s18+$0x0];
	[tilespmem:s15+$0x0 ss:$0x81] =	vst.msk $0xffff, v1  }
0x37: {  	s15 =	sshra.s32 s19, $0x2;
	v1 =	vld [tilespmem:s18+$0xFFFFFFE0]  }
0x38: {  	s15 =	sadd.s32 s15, s16  }
0x39: {  	s18 =	sadd.s32 $0x40, s18;
	[tilespmem:s15+$0x1830 ss:$0x81] =	vst.msk $0xffff, v3  }
.Ltmp4:
0x3a: {  	_ = 	snop;
	(pc) =	sbr.rel .LBB1_4-.Ltmp4, $1  }
0x3b: {  	_ =	sdelay $0x3  }
.LBB1_6:
0x3c: {  	_ =	sfence.sel $0x180000  }
0x3d: {  	s2 =	simm.s32 $0x1;
	[bflag:$0x0] =	sbarrier.arrive $0xFFFF  }
0x3e: {  	s31 =	simm.s32 $0x2;
	[sflag:s2] =	ssyncpa.u1 $0x1  }
0x3f: {  	[sflag:s31] =	ssyncpa.u1 $0x1  }
0x40: {  	p0 =	sne.s32 s0, $0x0;
	_ =	strace $0x9000004A  }
0x41: {  	s0 =	sadd.s32 @!p0 $0x100000, s1;
	[bflag:$0x2] =	sbarrier.arrive $0xFFFF  }
0x42: {  	[sflag:s0] =	ssyncadd.tile.s32 @!p0 $0x1;
	_ =	shalt  }
.Lfunc_end1:
_tile_overlayer_lowered:
.L_overlay_start_2:
0x43: {  	(tag) =	ssettag $0x2  }
0x44: {  	s0 =	rddreg [dreg:$0x0];
	s2 =	stileid.u32  }
0x45: {  	s1 =	rddreg [dreg:$0x1];
	p0 =	sne.s32 s2, $0x0  }
0x46: {  	s3 =	rddreg [dreg:$0x2];
	[bflag:$0x3] =	sbarrier.arrive $0xFFFF;
	s2 =	simm.s32 @!p0 $0x1C01  }
0x47: {  	[timem:s3], [sflag:s2] =	dma.local @!p0 [hbm:s0], s1  }
0x48: {  	s0 =	simm.s32 @!p0 $0x1  }
0x49: {  	_ =	swait.ge @!p0 [sflag:s0], s1  }
0x4a: {  	s1 =	ssub.s32 @!p0 $0x0, s1;
	[sflag:s0] =	ssyncset.done @!p0 $0x0  }
0x4b: {  	[sflag:s0] =	ssyncadd.s32 @!p0 s1  }
0x4c: {  	[bflag:$0x3] =	sbarrier.arrive $0xFFFF  }
0x4d: {  	_ =	shalt  }

</sc_bundles>
